<compile_context>
chip_gen: v7x
topology: tpu7x:2x2x1
jax: 0.10.2.dev20260603
libtpu: 0.0.44.dev20260713+nightly
codegen_flags: <defaults>
</compile_context>

<pallas_src>
import functools

import jax
import jax.numpy as jnp
from jax import lax
from jax.experimental import pallas as pl
from jax.experimental.pallas import tpu as pltpu
from jax.experimental.pallas import tpu_sc as plsc

NC = 2
NS = 16
LANES = 16
NW = NC * NS


def _make_sc_kernel(batch, maxlen, dim, nseq):
    seq_per_w = batch // NW
    n_chunks = seq_per_w // nseq
    half = dim // LANES

    mesh = plsc.VectorSubcoreMesh(core_axis_name="c", subcore_axis_name="s")

    @functools.partial(
        pl.kernel,
        out_type=jax.ShapeDtypeStruct((batch, maxlen, dim), jnp.float32),
        mesh=mesh,
        scratch_types=[
            pltpu.VMEM((nseq, maxlen), jnp.int32),
            pltpu.VMEM((nseq, maxlen, dim), jnp.float32),
            pltpu.VMEM((maxlen, dim), jnp.float32),
            pltpu.SemaphoreType.DMA,
        ],
        compiler_params=pltpu.CompilerParams(use_tc_tiling_on_sc=False),
    )
    def kern(x_hbm, tok_hbm, pos_hbm, out_hbm, idx_v, rows_v, pos_v, sem):
        wid = lax.axis_index("s") * NC + lax.axis_index("c")
        seq_base = wid * seq_per_w

        pltpu.sync_copy(pos_hbm, pos_v)

        def do_chunk(g, carry):
            s0 = seq_base + g * nseq
            pltpu.sync_copy(x_hbm.at[pl.ds(s0, nseq)], idx_v)
            for j in range(nseq):
                pltpu.async_copy(tok_hbm.at[idx_v.at[j]], rows_v.at[j], sem)
            for j in range(nseq):
                pltpu.make_async_copy(
                    tok_hbm.at[idx_v.at[j]], rows_v.at[j], sem
                ).wait()

            def add_pos(j, c2):
                for h in range(half):
                    pv = pos_v[j, pl.ds(h * LANES, LANES)]
                    for s in range(nseq):
                        plsc.addupdate(
                            rows_v.at[s, j, pl.ds(h * LANES, LANES)], pv
                        )
                return c2

            lax.fori_loop(0, maxlen, add_pos, None)
            pltpu.sync_copy(rows_v, out_hbm.at[pl.ds(s0, nseq)])
            return carry

        lax.fori_loop(0, n_chunks, do_chunk, None)

    return kern


@jax.jit
def kernel(x, token_emb, pos_emb):
    batch, maxlen = x.shape
    dim = token_emb.shape[1]
    k = _make_sc_kernel(batch, maxlen, dim, nseq=8)
    return k(x.astype(jnp.int32), token_emb, pos_emb)

# --- scband reference (transcript-rebuilt; emitter-appended) ---
"""Pipeline reference for scband-token-and-position-embedding-4853313045099 (READ-ONLY COPY).

The authoritative reference and input builder live on the scoring server;
editing this copy changes nothing except your own understanding.
"""

import jax, jax.numpy as jnp
import numpy as np

MAXLEN = 200
VOCAB_SIZE = 1000000
EMBED_DIM = 32
BATCH = 4096


def setup_inputs(seed: int = 0) -> dict:
    key = jax.random.key(seed)
    k_idx, k_tok, k_pos = jax.random.split(key, 3)
    x = jax.random.randint(k_idx, (BATCH, MAXLEN), 0, VOCAB_SIZE, dtype=jnp.int64 if jax.config.jax_enable_x64 else jnp.int32)
    token_emb = jax.random.normal(k_tok, (VOCAB_SIZE, EMBED_DIM), dtype=jnp.float32) * 0.05
    pos_emb = jax.random.normal(k_pos, (MAXLEN, EMBED_DIM), dtype=jnp.float32) * 0.05
    return {"x": x, "token_emb": token_emb, "pos_emb": pos_emb}


def reference(x, token_emb, pos_emb):
    # maxlen inferred from last dim of x, positions = range(maxlen)
    maxlen = x.shape[-1]
    positions = jnp.arange(maxlen)
    pos_vecs = jnp.take(pos_emb, positions, axis=0)          # [maxlen, embed_dim]
    tok_vecs = jnp.take(token_emb, x, axis=0)                # [B, maxlen, embed_dim]
    return tok_vecs + pos_vecs[None, :, :]

if __name__ == "__main__":
    import jax
    _d = setup_inputs()
    print(jax.jit(kernel)(*tuple(_d.values())))

</pallas_src>

<mosaic_0001>
#map = affine_map<(d0, d1) -> (0, 0)>
#map1 = affine_map<(d0, d1) -> (0, 0, 0)>
module attributes {stable_mosaic.version = 14 : i64} {
  func.func @kern(%arg0: i32, %arg1: i32, %arg2: memref<4096x200xi32, #tpu.memory_space<hbm>>, %arg3: memref<1000000x32xf32, #tpu.memory_space<hbm>>, %arg4: memref<200x32xf32, #tpu.memory_space<hbm>>, %arg5: memref<4096x200x32xf32, #tpu.memory_space<hbm>>, %arg6: memref<8x200xi32, #tpu.memory_space<vmem>>, %arg7: memref<8x200x32xf32, #tpu.memory_space<vmem>>, %arg8: memref<200x32xf32, #tpu.memory_space<vmem>>, %arg9: memref<!tpu.dma_semaphore, #tpu.memory_space<semaphore_mem>>) attributes {dimension_semantics = [#tpu.dimension_semantics<core_parallel>, #tpu.dimension_semantics<subcore_parallel>], iteration_bounds = array<i64: 2, 16>, scalar_prefetch = 0 : i64, scratch_operands = 4 : i64, tpu.core_type = #tpu.core_type<sc_vector_subcore>, window_params = [{transform_indices = #map}, {transform_indices = #map}, {transform_indices = #map}, {transform_indices = #map1}]} {
    %mul3A = arith.constant 2 : i32
    %mul3A_0 = arith.muli %arg1, %mul3A : i32
    %add3A = arith.addi %mul3A_0, %arg0 : i32
    %mul3A_1 = arith.constant 128 : i32
    %mul3A_2 = arith.muli %add3A, %mul3A_1 : i32
    "tpu.region"() ({
      %run_scoped3A = tpu.sem_alloc : memref<!tpu.dma_semaphore, #tpu.memory_space<semaphore_mem>>
      tpu.enqueue_dma source(%arg4 : memref<200x32xf32, #tpu.memory_space<hbm>>) target(%arg8 : memref<200x32xf32, #tpu.memory_space<vmem>>) target_semaphore(%run_scoped3A : memref<!tpu.dma_semaphore, #tpu.memory_space<semaphore_mem>>)
      tpu.wait_dma2 semaphore(%run_scoped3A : memref<!tpu.dma_semaphore, #tpu.memory_space<semaphore_mem>>) src(%arg4 : memref<200x32xf32, #tpu.memory_space<hbm>>) dst(%arg8 : memref<200x32xf32, #tpu.memory_space<vmem>>)
      tpu.yield
    }) : () -> ()
    %scan3A = arith.constant 0 : i32
    %scan3A_3 = arith.constant 16 : i32
    %scan3A_4 = arith.addi %scan3A, %scan3A_3 : i32
    %scan3A_5 = arith.constant 1 : i32
    scf.for %scan3A_7 = %scan3A to %scan3A_4 step %scan3A_5  : i32 {
      %mul3A_8 = arith.constant 8 : i32
      %mul3A_9 = arith.muli %scan3A_7, %mul3A_8 : i32
      %add3A_10 = arith.addi %mul3A_2, %mul3A_9 : i32
      "tpu.region"() ({
        %run_scoped3A = tpu.sem_alloc : memref<!tpu.dma_semaphore, #tpu.memory_space<semaphore_mem>>
        %dma_start3A_206 = arith.constant 0 : i32
        %dma_start3A_207 = tpu.memref_slice %arg2[%add3A_10, %dma_start3A_206] : memref<4096x200xi32, #tpu.memory_space<hbm>> -> memref<8x200xi32, #tpu.memory_space<hbm>>
        %dma_start3A_208 = arith.constant 0 : i32
        %dma_start3A_209 = tpu.memref_slice %arg2[%add3A_10, %dma_start3A_208] : memref<4096x200xi32, #tpu.memory_space<hbm>> -> memref<8x200xi32, #tpu.memory_space<hbm>>
        tpu.enqueue_dma source(%dma_start3A_209 : memref<8x200xi32, #tpu.memory_space<hbm>>) target(%arg6 : memref<8x200xi32, #tpu.memory_space<vmem>>) target_semaphore(%run_scoped3A : memref<!tpu.dma_semaphore, #tpu.memory_space<semaphore_mem>>)
        %dma_wait3A_210 = arith.constant 0 : i32
        %dma_wait3A_211 = tpu.memref_slice %arg2[%add3A_10, %dma_wait3A_210] : memref<4096x200xi32, #tpu.memory_space<hbm>> -> memref<8x200xi32, #tpu.memory_space<hbm>>
        %dma_wait3A_212 = arith.constant 0 : i32
        %dma_wait3A_213 = tpu.memref_slice %arg2[%add3A_10, %dma_wait3A_212] : memref<4096x200xi32, #tpu.memory_space<hbm>> -> memref<8x200xi32, #tpu.memory_space<hbm>>
        tpu.wait_dma2 semaphore(%run_scoped3A : memref<!tpu.dma_semaphore, #tpu.memory_space<semaphore_mem>>) src(%dma_wait3A_213 : memref<8x200xi32, #tpu.memory_space<hbm>>) dst(%arg6 : memref<8x200xi32, #tpu.memory_space<vmem>>)
        tpu.yield
      }) : () -> ()
      %dma_start3A = arith.constant 0 : i32
      %dma_start3A_11 = arith.constant 0 : i32
      %dma_start3A_12 = arith.constant 0 : i32
      %dma_start3A_13 = arith.constant 0 : i32
      %dma_start3A_14 = tpu.memref_slice %arg7[%dma_start3A_11, %dma_start3A_12, %dma_start3A_13] : memref<8x200x32xf32, #tpu.memory_space<vmem>> -> memref<1x200x32xf32, #tpu.memory_space<vmem>>
      %dma_start3A_15 = tpu.memref_squeeze %dma_start3A_14 : memref<1x200x32xf32, #tpu.memory_space<vmem>> -> memref<200x32xf32, #tpu.memory_space<vmem>>
      %dma_start3A_16 = arith.constant 0 : i32
      %dma_start3A_17 = tpu.memref_slice %arg6[%dma_start3A, %dma_start3A_16] : memref<8x200xi32, #tpu.memory_space<vmem>> -> memref<1x200xi32, #tpu.memory_space<vmem>>
      %dma_start3A_18 = tpu.memref_squeeze %dma_start3A_17 : memref<1x200xi32, #tpu.memory_space<vmem>> -> memref<200xi32, #tpu.memory_space<vmem>>
      %dma_start3A_19 = arith.constant 0 : i32
      %dma_start3A_20 = arith.constant 0 : i32
      %dma_start3A_21 = tpu.memref_slice %arg3[%dma_start3A_19, %dma_start3A_20] : memref<1000000x32xf32, #tpu.memory_space<hbm>> -> memref<1000000x32xf32, #tpu.memory_space<hbm>>
      tpu.enqueue_indirect_dma source(%dma_start3A_21 : memref<1000000x32xf32, #tpu.memory_space<hbm>>) target(%dma_start3A_15 : memref<200x32xf32, #tpu.memory_space<vmem>>) offsets(%dma_start3A_18 : memref<200xi32, #tpu.memory_space<vmem>>) semaphore(%arg9 : memref<!tpu.dma_semaphore, #tpu.memory_space<semaphore_mem>>)
      %dma_start3A_22 = arith.constant 1 : i32
      %dma_start3A_23 = arith.constant 1 : i32
      %dma_start3A_24 = arith.constant 0 : i32
      %dma_start3A_25 = arith.constant 0 : i32
      %dma_start3A_26 = tpu.memref_slice %arg7[%dma_start3A_23, %dma_start3A_24, %dma_start3A_25] : memref<8x200x32xf32, #tpu.memory_space<vmem>> -> memref<1x200x32xf32, #tpu.memory_space<vmem>>
      %dma_start3A_27 = tpu.memref_squeeze %dma_start3A_26 : memref<1x200x32xf32, #tpu.memory_space<vmem>> -> memref<200x32xf32, #tpu.memory_space<vmem>>
      %dma_start3A_28 = arith.constant 0 : i32
      %dma_start3A_29 = tpu.memref_slice %arg6[%dma_start3A_22, %dma_start3A_28] : memref<8x200xi32, #tpu.memory_space<vmem>> -> memref<1x200xi32, #tpu.memory_space<vmem>>
      %dma_start3A_30 = tpu.memref_squeeze %dma_start3A_29 : memref<1x200xi32, #tpu.memory_space<vmem>> -> memref<200xi32, #tpu.memory_space<vmem>>
      %dma_start3A_31 = arith.constant 0 : i32
      %dma_start3A_32 = arith.constant 0 : i32
      %dma_start3A_33 = tpu.memref_slice %arg3[%dma_start3A_31, %dma_start3A_32] : memref<1000000x32xf32, #tpu.memory_space<hbm>> -> memref<1000000x32xf32, #tpu.memory_space<hbm>>
      tpu.enqueue_indirect_dma source(%dma_start3A_33 : memref<1000000x32xf32, #tpu.memory_space<hbm>>) target(%dma_start3A_27 : memref<200x32xf32, #tpu.memory_space<vmem>>) offsets(%dma_start3A_30 : memref<200xi32, #tpu.memory_space<vmem>>) semaphore(%arg9 : memref<!tpu.dma_semaphore, #tpu.memory_space<semaphore_mem>>)
      %dma_start3A_34 = arith.constant 2 : i32
      %dma_start3A_35 = arith.constant 2 : i32
      %dma_start3A_36 = arith.constant 0 : i32
      %dma_start3A_37 = arith.constant 0 : i32
      %dma_start3A_38 = tpu.memref_slice %arg7[%dma_start3A_35, %dma_start3A_36, %dma_start3A_37] : memref<8x200x32xf32, #tpu.memory_space<vmem>> -> memref<1x200x32xf32, #tpu.memory_space<vmem>>
      %dma_start3A_39 = tpu.memref_squeeze %dma_start3A_38 : memref<1x200x32xf32, #tpu.memory_space<vmem>> -> memref<200x32xf32, #tpu.memory_space<vmem>>
      %dma_start3A_40 = arith.constant 0 : i32
      %dma_start3A_41 = tpu.memref_slice %arg6[%dma_start3A_34, %dma_start3A_40] : memref<8x200xi32, #tpu.memory_space<vmem>> -> memref<1x200xi32, #tpu.memory_space<vmem>>
      %dma_start3A_42 = tpu.memref_squeeze %dma_start3A_41 : memref<1x200xi32, #tpu.memory_space<vmem>> -> memref<200xi32, #tpu.memory_space<vmem>>
      %dma_start3A_43 = arith.constant 0 : i32
      %dma_start3A_44 = arith.constant 0 : i32
      %dma_start3A_45 = tpu.memref_slice %arg3[%dma_start3A_43, %dma_start3A_44] : memref<1000000x32xf32, #tpu.memory_space<hbm>> -> memref<1000000x32xf32, #tpu.memory_space<hbm>>
      tpu.enqueue_indirect_dma source(%dma_start3A_45 : memref<1000000x32xf32, #tpu.memory_space<hbm>>) target(%dma_start3A_39 : memref<200x32xf32, #tpu.memory_space<vmem>>) offsets(%dma_start3A_42 : memref<200xi32, #tpu.memory_space<vmem>>) semaphore(%arg9 : memref<!tpu.dma_semaphore, #tpu.memory_space<semaphore_mem>>)
      %dma_start3A_46 = arith.constant 3 : i32
      %dma_start3A_47 = arith.constant 3 : i32
      %dma_start3A_48 = arith.constant 0 : i32
      %dma_start3A_49 = arith.constant 0 : i32
      %dma_start3A_50 = tpu.memref_slice %arg7[%dma_start3A_47, %dma_start3A_48, %dma_start3A_49] : memref<8x200x32xf32, #tpu.memory_space<vmem>> -> memref<1x200x32xf32, #tpu.memory_space<vmem>>
      %dma_start3A_51 = tpu.memref_squeeze %dma_start3A_50 : memref<1x200x32xf32, #tpu.memory_space<vmem>> -> memref<200x32xf32, #tpu.memory_space<vmem>>
      %dma_start3A_52 = arith.constant 0 : i32
      %dma_start3A_53 = tpu.memref_slice %arg6[%dma_start3A_46, %dma_start3A_52] : memref<8x200xi32, #tpu.memory_space<vmem>> -> memref<1x200xi32, #tpu.memory_space<vmem>>
      %dma_start3A_54 = tpu.memref_squeeze %dma_start3A_53 : memref<1x200xi32, #tpu.memory_space<vmem>> -> memref<200xi32, #tpu.memory_space<vmem>>
      %dma_start3A_55 = arith.constant 0 : i32
      %dma_start3A_56 = arith.constant 0 : i32
      %dma_start3A_57 = tpu.memref_slice %arg3[%dma_start3A_55, %dma_start3A_56] : memref<1000000x32xf32, #tpu.memory_space<hbm>> -> memref<1000000x32xf32, #tpu.memory_space<hbm>>
      tpu.enqueue_indirect_dma source(%dma_start3A_57 : memref<1000000x32xf32, #tpu.memory_space<hbm>>) target(%dma_start3A_51 : memref<200x32xf32, #tpu.memory_space<vmem>>) offsets(%dma_start3A_54 : memref<200xi32, #tpu.memory_space<vmem>>) semaphore(%arg9 : memref<!tpu.dma_semaphore, #tpu.memory_space<semaphore_mem>>)
      %dma_start3A_58 = arith.constant 4 : i32
      %dma_start3A_59 = arith.constant 4 : i32
      %dma_start3A_60 = arith.constant 0 : i32
      %dma_start3A_61 = arith.constant 0 : i32
      %dma_start3A_62 = tpu.memref_slice %arg7[%dma_start3A_59, %dma_start3A_60, %dma_start3A_61] : memref<8x200x32xf32, #tpu.memory_space<vmem>> -> memref<1x200x32xf32, #tpu.memory_space<vmem>>
      %dma_start3A_63 = tpu.memref_squeeze %dma_start3A_62 : memref<1x200x32xf32, #tpu.memory_space<vmem>> -> memref<200x32xf32, #tpu.memory_space<vmem>>
      %dma_start3A_64 = arith.constant 0 : i32
      %dma_start3A_65 = tpu.memref_slice %arg6[%dma_start3A_58, %dma_start3A_64] : memref<8x200xi32, #tpu.memory_space<vmem>> -> memref<1x200xi32, #tpu.memory_space<vmem>>
      %dma_start3A_66 = tpu.memref_squeeze %dma_start3A_65 : memref<1x200xi32, #tpu.memory_space<vmem>> -> memref<200xi32, #tpu.memory_space<vmem>>
      %dma_start3A_67 = arith.constant 0 : i32
      %dma_start3A_68 = arith.constant 0 : i32
      %dma_start3A_69 = tpu.memref_slice %arg3[%dma_start3A_67, %dma_start3A_68] : memref<1000000x32xf32, #tpu.memory_space<hbm>> -> memref<1000000x32xf32, #tpu.memory_space<hbm>>
      tpu.enqueue_indirect_dma source(%dma_start3A_69 : memref<1000000x32xf32, #tpu.memory_space<hbm>>) target(%dma_start3A_63 : memref<200x32xf32, #tpu.memory_space<vmem>>) offsets(%dma_start3A_66 : memref<200xi32, #tpu.memory_space<vmem>>) semaphore(%arg9 : memref<!tpu.dma_semaphore, #tpu.memory_space<semaphore_mem>>)
      %dma_start3A_70 = arith.constant 5 : i32
      %dma_start3A_71 = arith.constant 5 : i32
      %dma_start3A_72 = arith.constant 0 : i32
      %dma_start3A_73 = arith.constant 0 : i32
      %dma_start3A_74 = tpu.memref_slice %arg7[%dma_start3A_71, %dma_start3A_72, %dma_start3A_73] : memref<8x200x32xf32, #tpu.memory_space<vmem>> -> memref<1x200x32xf32, #tpu.memory_space<vmem>>
      %dma_start3A_75 = tpu.memref_squeeze %dma_start3A_74 : memref<1x200x32xf32, #tpu.memory_space<vmem>> -> memref<200x32xf32, #tpu.memory_space<vmem>>
      %dma_start3A_76 = arith.constant 0 : i32
      %dma_start3A_77 = tpu.memref_slice %arg6[%dma_start3A_70, %dma_start3A_76] : memref<8x200xi32, #tpu.memory_space<vmem>> -> memref<1x200xi32, #tpu.memory_space<vmem>>
      %dma_start3A_78 = tpu.memref_squeeze %dma_start3A_77 : memref<1x200xi32, #tpu.memory_space<vmem>> -> memref<200xi32, #tpu.memory_space<vmem>>
      %dma_start3A_79 = arith.constant 0 : i32
      %dma_start3A_80 = arith.constant 0 : i32
      %dma_start3A_81 = tpu.memref_slice %arg3[%dma_start3A_79, %dma_start3A_80] : memref<1000000x32xf32, #tpu.memory_space<hbm>> -> memref<1000000x32xf32, #tpu.memory_space<hbm>>
      tpu.enqueue_indirect_dma source(%dma_start3A_81 : memref<1000000x32xf32, #tpu.memory_space<hbm>>) target(%dma_start3A_75 : memref<200x32xf32, #tpu.memory_space<vmem>>) offsets(%dma_start3A_78 : memref<200xi32, #tpu.memory_space<vmem>>) semaphore(%arg9 : memref<!tpu.dma_semaphore, #tpu.memory_space<semaphore_mem>>)
      %dma_start3A_82 = arith.constant 6 : i32
      %dma_start3A_83 = arith.constant 6 : i32
      %dma_start3A_84 = arith.constant 0 : i32
      %dma_start3A_85 = arith.constant 0 : i32
      %dma_start3A_86 = tpu.memref_slice %arg7[%dma_start3A_83, %dma_start3A_84, %dma_start3A_85] : memref<8x200x32xf32, #tpu.memory_space<vmem>> -> memref<1x200x32xf32, #tpu.memory_space<vmem>>
      %dma_start3A_87 = tpu.memref_squeeze %dma_start3A_86 : memref<1x200x32xf32, #tpu.memory_space<vmem>> -> memref<200x32xf32, #tpu.memory_space<vmem>>
      %dma_start3A_88 = arith.constant 0 : i32
      %dma_start3A_89 = tpu.memref_slice %arg6[%dma_start3A_82, %dma_start3A_88] : memref<8x200xi32, #tpu.memory_space<vmem>> -> memref<1x200xi32, #tpu.memory_space<vmem>>
      %dma_start3A_90 = tpu.memref_squeeze %dma_start3A_89 : memref<1x200xi32, #tpu.memory_space<vmem>> -> memref<200xi32, #tpu.memory_space<vmem>>
      %dma_start3A_91 = arith.constant 0 : i32
      %dma_start3A_92 = arith.constant 0 : i32
      %dma_start3A_93 = tpu.memref_slice %arg3[%dma_start3A_91, %dma_start3A_92] : memref<1000000x32xf32, #tpu.memory_space<hbm>> -> memref<1000000x32xf32, #tpu.memory_space<hbm>>
      tpu.enqueue_indirect_dma source(%dma_start3A_93 : memref<1000000x32xf32, #tpu.memory_space<hbm>>) target(%dma_start3A_87 : memref<200x32xf32, #tpu.memory_space<vmem>>) offsets(%dma_start3A_90 : memref<200xi32, #tpu.memory_space<vmem>>) semaphore(%arg9 : memref<!tpu.dma_semaphore, #tpu.memory_space<semaphore_mem>>)
      %dma_start3A_94 = arith.constant 7 : i32
      %dma_start3A_95 = arith.constant 7 : i32
      %dma_start3A_96 = arith.constant 0 : i32
      %dma_start3A_97 = arith.constant 0 : i32
      %dma_start3A_98 = tpu.memref_slice %arg7[%dma_start3A_95, %dma_start3A_96, %dma_start3A_97] : memref<8x200x32xf32, #tpu.memory_space<vmem>> -> memref<1x200x32xf32, #tpu.memory_space<vmem>>
      %dma_start3A_99 = tpu.memref_squeeze %dma_start3A_98 : memref<1x200x32xf32, #tpu.memory_space<vmem>> -> memref<200x32xf32, #tpu.memory_space<vmem>>
      %dma_start3A_100 = arith.constant 0 : i32
      %dma_start3A_101 = tpu.memref_slice %arg6[%dma_start3A_94, %dma_start3A_100] : memref<8x200xi32, #tpu.memory_space<vmem>> -> memref<1x200xi32, #tpu.memory_space<vmem>>
      %dma_start3A_102 = tpu.memref_squeeze %dma_start3A_101 : memref<1x200xi32, #tpu.memory_space<vmem>> -> memref<200xi32, #tpu.memory_space<vmem>>
      %dma_start3A_103 = arith.constant 0 : i32
      %dma_start3A_104 = arith.constant 0 : i32
      %dma_start3A_105 = tpu.memref_slice %arg3[%dma_start3A_103, %dma_start3A_104] : memref<1000000x32xf32, #tpu.memory_space<hbm>> -> memref<1000000x32xf32, #tpu.memory_space<hbm>>
      tpu.enqueue_indirect_dma source(%dma_start3A_105 : memref<1000000x32xf32, #tpu.memory_space<hbm>>) target(%dma_start3A_99 : memref<200x32xf32, #tpu.memory_space<vmem>>) offsets(%dma_start3A_102 : memref<200xi32, #tpu.memory_space<vmem>>) semaphore(%arg9 : memref<!tpu.dma_semaphore, #tpu.memory_space<semaphore_mem>>)
      %dma_wait3A = arith.constant 0 : i32
      %dma_wait3A_106 = arith.constant 0 : i32
      %dma_wait3A_107 = arith.constant 0 : i32
      %dma_wait3A_108 = arith.constant 0 : i32
      %dma_wait3A_109 = tpu.memref_slice %arg7[%dma_wait3A_106, %dma_wait3A_107, %dma_wait3A_108] : memref<8x200x32xf32, #tpu.memory_space<vmem>> -> memref<1x200x32xf32, #tpu.memory_space<vmem>>
      %dma_wait3A_110 = tpu.memref_squeeze %dma_wait3A_109 : memref<1x200x32xf32, #tpu.memory_space<vmem>> -> memref<200x32xf32, #tpu.memory_space<vmem>>
      %dma_wait3A_111 = arith.constant 0 : i32
      %dma_wait3A_112 = tpu.memref_slice %arg6[%dma_wait3A, %dma_wait3A_111] : memref<8x200xi32, #tpu.memory_space<vmem>> -> memref<1x200xi32, #tpu.memory_space<vmem>>
      %dma_wait3A_113 = tpu.memref_squeeze %dma_wait3A_112 : memref<1x200xi32, #tpu.memory_space<vmem>> -> memref<200xi32, #tpu.memory_space<vmem>>
      %dma_wait3A_114 = arith.constant 0 : i32
      %dma_wait3A_115 = arith.constant 0 : i32
      %dma_wait3A_116 = tpu.memref_slice %arg3[%dma_wait3A_114, %dma_wait3A_115] : memref<1000000x32xf32, #tpu.memory_space<hbm>> -> memref<1000000x32xf32, #tpu.memory_space<hbm>>
      tpu.wait_indirect_dma semaphore(%arg9 : memref<!tpu.dma_semaphore, #tpu.memory_space<semaphore_mem>>) src(%dma_wait3A_116 : memref<1000000x32xf32, #tpu.memory_space<hbm>>) dst(%dma_wait3A_110 : memref<200x32xf32, #tpu.memory_space<vmem>>)
      %dma_wait3A_117 = arith.constant 1 : i32
      %dma_wait3A_118 = arith.constant 1 : i32
      %dma_wait3A_119 = arith.constant 0 : i32
      %dma_wait3A_120 = arith.constant 0 : i32
      %dma_wait3A_121 = tpu.memref_slice %arg7[%dma_wait3A_118, %dma_wait3A_119, %dma_wait3A_120] : memref<8x200x32xf32, #tpu.memory_space<vmem>> -> memref<1x200x32xf32, #tpu.memory_space<vmem>>
      %dma_wait3A_122 = tpu.memref_squeeze %dma_wait3A_121 : memref<1x200x32xf32, #tpu.memory_space<vmem>> -> memref<200x32xf32, #tpu.memory_space<vmem>>
      %dma_wait3A_123 = arith.constant 0 : i32
      %dma_wait3A_124 = tpu.memref_slice %arg6[%dma_wait3A_117, %dma_wait3A_123] : memref<8x200xi32, #tpu.memory_space<vmem>> -> memref<1x200xi32, #tpu.memory_space<vmem>>
      %dma_wait3A_125 = tpu.memref_squeeze %dma_wait3A_124 : memref<1x200xi32, #tpu.memory_space<vmem>> -> memref<200xi32, #tpu.memory_space<vmem>>
      %dma_wait3A_126 = arith.constant 0 : i32
      %dma_wait3A_127 = arith.constant 0 : i32
      %dma_wait3A_128 = tpu.memref_slice %arg3[%dma_wait3A_126, %dma_wait3A_127] : memref<1000000x32xf32, #tpu.memory_space<hbm>> -> memref<1000000x32xf32, #tpu.memory_space<hbm>>
      tpu.wait_indirect_dma semaphore(%arg9 : memref<!tpu.dma_semaphore, #tpu.memory_space<semaphore_mem>>) src(%dma_wait3A_128 : memref<1000000x32xf32, #tpu.memory_space<hbm>>) dst(%dma_wait3A_122 : memref<200x32xf32, #tpu.memory_space<vmem>>)
      %dma_wait3A_129 = arith.constant 2 : i32
      %dma_wait3A_130 = arith.constant 2 : i32
      %dma_wait3A_131 = arith.constant 0 : i32
      %dma_wait3A_132 = arith.constant 0 : i32
      %dma_wait3A_133 = tpu.memref_slice %arg7[%dma_wait3A_130, %dma_wait3A_131, %dma_wait3A_132] : memref<8x200x32xf32, #tpu.memory_space<vmem>> -> memref<1x200x32xf32, #tpu.memory_space<vmem>>
      %dma_wait3A_134 = tpu.memref_squeeze %dma_wait3A_133 : memref<1x200x32xf32, #tpu.memory_space<vmem>> -> memref<200x32xf32, #tpu.memory_space<vmem>>
      %dma_wait3A_135 = arith.constant 0 : i32
      %dma_wait3A_136 = tpu.memref_slice %arg6[%dma_wait3A_129, %dma_wait3A_135] : memref<8x200xi32, #tpu.memory_space<vmem>> -> memref<1x200xi32, #tpu.memory_space<vmem>>
      %dma_wait3A_137 = tpu.memref_squeeze %dma_wait3A_136 : memref<1x200xi32, #tpu.memory_space<vmem>> -> memref<200xi32, #tpu.memory_space<vmem>>
      %dma_wait3A_138 = arith.constant 0 : i32
      %dma_wait3A_139 = arith.constant 0 : i32
      %dma_wait3A_140 = tpu.memref_slice %arg3[%dma_wait3A_138, %dma_wait3A_139] : memref<1000000x32xf32, #tpu.memory_space<hbm>> -> memref<1000000x32xf32, #tpu.memory_space<hbm>>
      tpu.wait_indirect_dma semaphore(%arg9 : memref<!tpu.dma_semaphore, #tpu.memory_space<semaphore_mem>>) src(%dma_wait3A_140 : memref<1000000x32xf32, #tpu.memory_space<hbm>>) dst(%dma_wait3A_134 : memref<200x32xf32, #tpu.memory_space<vmem>>)
      %dma_wait3A_141 = arith.constant 3 : i32
      %dma_wait3A_142 = arith.constant 3 : i32
      %dma_wait3A_143 = arith.constant 0 : i32
      %dma_wait3A_144 = arith.constant 0 : i32
      %dma_wait3A_145 = tpu.memref_slice %arg7[%dma_wait3A_142, %dma_wait3A_143, %dma_wait3A_144] : memref<8x200x32xf32, #tpu.memory_space<vmem>> -> memref<1x200x32xf32, #tpu.memory_space<vmem>>
      %dma_wait3A_146 = tpu.memref_squeeze %dma_wait3A_145 : memref<1x200x32xf32, #tpu.memory_space<vmem>> -> memref<200x32xf32, #tpu.memory_space<vmem>>
      %dma_wait3A_147 = arith.constant 0 : i32
      %dma_wait3A_148 = tpu.memref_slice %arg6[%dma_wait3A_141, %dma_wait3A_147] : memref<8x200xi32, #tpu.memory_space<vmem>> -> memref<1x200xi32, #tpu.memory_space<vmem>>
      %dma_wait3A_149 = tpu.memref_squeeze %dma_wait3A_148 : memref<1x200xi32, #tpu.memory_space<vmem>> -> memref<200xi32, #tpu.memory_space<vmem>>
      %dma_wait3A_150 = arith.constant 0 : i32
      %dma_wait3A_151 = arith.constant 0 : i32
      %dma_wait3A_152 = tpu.memref_slice %arg3[%dma_wait3A_150, %dma_wait3A_151] : memref<1000000x32xf32, #tpu.memory_space<hbm>> -> memref<1000000x32xf32, #tpu.memory_space<hbm>>
      tpu.wait_indirect_dma semaphore(%arg9 : memref<!tpu.dma_semaphore, #tpu.memory_space<semaphore_mem>>) src(%dma_wait3A_152 : memref<1000000x32xf32, #tpu.memory_space<hbm>>) dst(%dma_wait3A_146 : memref<200x32xf32, #tpu.memory_space<vmem>>)
      %dma_wait3A_153 = arith.constant 4 : i32
      %dma_wait3A_154 = arith.constant 4 : i32
      %dma_wait3A_155 = arith.constant 0 : i32
      %dma_wait3A_156 = arith.constant 0 : i32
      %dma_wait3A_157 = tpu.memref_slice %arg7[%dma_wait3A_154, %dma_wait3A_155, %dma_wait3A_156] : memref<8x200x32xf32, #tpu.memory_space<vmem>> -> memref<1x200x32xf32, #tpu.memory_space<vmem>>
      %dma_wait3A_158 = tpu.memref_squeeze %dma_wait3A_157 : memref<1x200x32xf32, #tpu.memory_space<vmem>> -> memref<200x32xf32, #tpu.memory_space<vmem>>
      %dma_wait3A_159 = arith.constant 0 : i32
      %dma_wait3A_160 = tpu.memref_slice %arg6[%dma_wait3A_153, %dma_wait3A_159] : memref<8x200xi32, #tpu.memory_space<vmem>> -> memref<1x200xi32, #tpu.memory_space<vmem>>
      %dma_wait3A_161 = tpu.memref_squeeze %dma_wait3A_160 : memref<1x200xi32, #tpu.memory_space<vmem>> -> memref<200xi32, #tpu.memory_space<vmem>>
      %dma_wait3A_162 = arith.constant 0 : i32
      %dma_wait3A_163 = arith.constant 0 : i32
      %dma_wait3A_164 = tpu.memref_slice %arg3[%dma_wait3A_162, %dma_wait3A_163] : memref<1000000x32xf32, #tpu.memory_space<hbm>> -> memref<1000000x32xf32, #tpu.memory_space<hbm>>
      tpu.wait_indirect_dma semaphore(%arg9 : memref<!tpu.dma_semaphore, #tpu.memory_space<semaphore_mem>>) src(%dma_wait3A_164 : memref<1000000x32xf32, #tpu.memory_space<hbm>>) dst(%dma_wait3A_158 : memref<200x32xf32, #tpu.memory_space<vmem>>)
      %dma_wait3A_165 = arith.constant 5 : i32
      %dma_wait3A_166 = arith.constant 5 : i32
      %dma_wait3A_167 = arith.constant 0 : i32
      %dma_wait3A_168 = arith.constant 0 : i32
      %dma_wait3A_169 = tpu.memref_slice %arg7[%dma_wait3A_166, %dma_wait3A_167, %dma_wait3A_168] : memref<8x200x32xf32, #tpu.memory_space<vmem>> -> memref<1x200x32xf32, #tpu.memory_space<vmem>>
      %dma_wait3A_170 = tpu.memref_squeeze %dma_wait3A_169 : memref<1x200x32xf32, #tpu.memory_space<vmem>> -> memref<200x32xf32, #tpu.memory_space<vmem>>
      %dma_wait3A_171 = arith.constant 0 : i32
      %dma_wait3A_172 = tpu.memref_slice %arg6[%dma_wait3A_165, %dma_wait3A_171] : memref<8x200xi32, #tpu.memory_space<vmem>> -> memref<1x200xi32, #tpu.memory_space<vmem>>
      %dma_wait3A_173 = tpu.memref_squeeze %dma_wait3A_172 : memref<1x200xi32, #tpu.memory_space<vmem>> -> memref<200xi32, #tpu.memory_space<vmem>>
      %dma_wait3A_174 = arith.constant 0 : i32
      %dma_wait3A_175 = arith.constant 0 : i32
      %dma_wait3A_176 = tpu.memref_slice %arg3[%dma_wait3A_174, %dma_wait3A_175] : memref<1000000x32xf32, #tpu.memory_space<hbm>> -> memref<1000000x32xf32, #tpu.memory_space<hbm>>
      tpu.wait_indirect_dma semaphore(%arg9 : memref<!tpu.dma_semaphore, #tpu.memory_space<semaphore_mem>>) src(%dma_wait3A_176 : memref<1000000x32xf32, #tpu.memory_space<hbm>>) dst(%dma_wait3A_170 : memref<200x32xf32, #tpu.memory_space<vmem>>)
      %dma_wait3A_177 = arith.constant 6 : i32
      %dma_wait3A_178 = arith.constant 6 : i32
      %dma_wait3A_179 = arith.constant 0 : i32
      %dma_wait3A_180 = arith.constant 0 : i32
      %dma_wait3A_181 = tpu.memref_slice %arg7[%dma_wait3A_178, %dma_wait3A_179, %dma_wait3A_180] : memref<8x200x32xf32, #tpu.memory_space<vmem>> -> memref<1x200x32xf32, #tpu.memory_space<vmem>>
      %dma_wait3A_182 = tpu.memref_squeeze %dma_wait3A_181 : memref<1x200x32xf32, #tpu.memory_space<vmem>> -> memref<200x32xf32, #tpu.memory_space<vmem>>
      %dma_wait3A_183 = arith.constant 0 : i32
      %dma_wait3A_184 = tpu.memref_slice %arg6[%dma_wait3A_177, %dma_wait3A_183] : memref<8x200xi32, #tpu.memory_space<vmem>> -> memref<1x200xi32, #tpu.memory_space<vmem>>
      %dma_wait3A_185 = tpu.memref_squeeze %dma_wait3A_184 : memref<1x200xi32, #tpu.memory_space<vmem>> -> memref<200xi32, #tpu.memory_space<vmem>>
      %dma_wait3A_186 = arith.constant 0 : i32
      %dma_wait3A_187 = arith.constant 0 : i32
      %dma_wait3A_188 = tpu.memref_slice %arg3[%dma_wait3A_186, %dma_wait3A_187] : memref<1000000x32xf32, #tpu.memory_space<hbm>> -> memref<1000000x32xf32, #tpu.memory_space<hbm>>
      tpu.wait_indirect_dma semaphore(%arg9 : memref<!tpu.dma_semaphore, #tpu.memory_space<semaphore_mem>>) src(%dma_wait3A_188 : memref<1000000x32xf32, #tpu.memory_space<hbm>>) dst(%dma_wait3A_182 : memref<200x32xf32, #tpu.memory_space<vmem>>)
      %dma_wait3A_189 = arith.constant 7 : i32
      %dma_wait3A_190 = arith.constant 7 : i32
      %dma_wait3A_191 = arith.constant 0 : i32
      %dma_wait3A_192 = arith.constant 0 : i32
      %dma_wait3A_193 = tpu.memref_slice %arg7[%dma_wait3A_190, %dma_wait3A_191, %dma_wait3A_192] : memref<8x200x32xf32, #tpu.memory_space<vmem>> -> memref<1x200x32xf32, #tpu.memory_space<vmem>>
      %dma_wait3A_194 = tpu.memref_squeeze %dma_wait3A_193 : memref<1x200x32xf32, #tpu.memory_space<vmem>> -> memref<200x32xf32, #tpu.memory_space<vmem>>
      %dma_wait3A_195 = arith.constant 0 : i32
      %dma_wait3A_196 = tpu.memref_slice %arg6[%dma_wait3A_189, %dma_wait3A_195] : memref<8x200xi32, #tpu.memory_space<vmem>> -> memref<1x200xi32, #tpu.memory_space<vmem>>
      %dma_wait3A_197 = tpu.memref_squeeze %dma_wait3A_196 : memref<1x200xi32, #tpu.memory_space<vmem>> -> memref<200xi32, #tpu.memory_space<vmem>>
      %dma_wait3A_198 = arith.constant 0 : i32
      %dma_wait3A_199 = arith.constant 0 : i32
      %dma_wait3A_200 = tpu.memref_slice %arg3[%dma_wait3A_198, %dma_wait3A_199] : memref<1000000x32xf32, #tpu.memory_space<hbm>> -> memref<1000000x32xf32, #tpu.memory_space<hbm>>
      tpu.wait_indirect_dma semaphore(%arg9 : memref<!tpu.dma_semaphore, #tpu.memory_space<semaphore_mem>>) src(%dma_wait3A_200 : memref<1000000x32xf32, #tpu.memory_space<hbm>>) dst(%dma_wait3A_194 : memref<200x32xf32, #tpu.memory_space<vmem>>)
      %scan3A_201 = arith.constant 0 : i32
      %scan3A_202 = arith.constant 200 : i32
      %scan3A_203 = arith.addi %scan3A_201, %scan3A_202 : i32
      %scan3A_204 = arith.constant 1 : i32
      scf.for %scan3A_206 = %scan3A_201 to %scan3A_203 step %scan3A_204  : i32 {
        %get3A = arith.index_cast %scan3A_206 : i32 to index
        %get3A_207 = arith.constant 0 : index
        %get3A_208 = tpu.vector_load %arg8[%get3A, %get3A_207] {strides = array<i32>} : memref<200x32xf32, #tpu.memory_space<vmem>>, vector<1x16xf32>,
        %get3A_209 = vector.shape_cast %get3A_208 : vector<1x16xf32> to vector<16xf32>
        %swap3A = arith.constant 0 : i32
        %swap3A_210 = arith.index_cast %swap3A : i32 to index
        %swap3A_211 = arith.index_cast %scan3A_206 : i32 to index
        %swap3A_212 = arith.constant 0 : index
        %swap3A_213 = tpu.vector_load %arg7[%swap3A_210, %swap3A_211, %swap3A_212] {strides = array<i32>} : memref<8x200x32xf32, #tpu.memory_space<vmem>>, vector<1x1x16xf32>,
        %swap3A_214 = vector.shape_cast %swap3A_213 : vector<1x1x16xf32> to vector<16xf32>
        %swap3A_215 = vector.shape_cast %get3A_209 : vector<16xf32> to vector<1x1x16xf32>
        tpu.vector_store %arg7[%swap3A_210, %swap3A_211, %swap3A_212], %swap3A_215 {add = true, strides = array<i32>} : memref<8x200x32xf32, #tpu.memory_space<vmem>>, vector<1x1x16xf32>,
        %swap3A_216 = arith.constant 1 : i32
        %swap3A_217 = arith.index_cast %swap3A_216 : i32 to index
        %swap3A_218 = arith.index_cast %scan3A_206 : i32 to index
        %swap3A_219 = arith.constant 0 : index
        %swap3A_220 = tpu.vector_load %arg7[%swap3A_217, %swap3A_218, %swap3A_219] {strides = array<i32>} : memref<8x200x32xf32, #tpu.memory_space<vmem>>, vector<1x1x16xf32>,
        %swap3A_221 = vector.shape_cast %swap3A_220 : vector<1x1x16xf32> to vector<16xf32>
        %swap3A_222 = vector.shape_cast %get3A_209 : vector<16xf32> to vector<1x1x16xf32>
        tpu.vector_store %arg7[%swap3A_217, %swap3A_218, %swap3A_219], %swap3A_222 {add = true, strides = array<i32>} : memref<8x200x32xf32, #tpu.memory_space<vmem>>, vector<1x1x16xf32>,
        %swap3A_223 = arith.constant 2 : i32
        %swap3A_224 = arith.index_cast %swap3A_223 : i32 to index
        %swap3A_225 = arith.index_cast %scan3A_206 : i32 to index
        %swap3A_226 = arith.constant 0 : index
        %swap3A_227 = tpu.vector_load %arg7[%swap3A_224, %swap3A_225, %swap3A_226] {strides = array<i32>} : memref<8x200x32xf32, #tpu.memory_space<vmem>>, vector<1x1x16xf32>,
        %swap3A_228 = vector.shape_cast %swap3A_227 : vector<1x1x16xf32> to vector<16xf32>
        %swap3A_229 = vector.shape_cast %get3A_209 : vector<16xf32> to vector<1x1x16xf32>
        tpu.vector_store %arg7[%swap3A_224, %swap3A_225, %swap3A_226], %swap3A_229 {add = true, strides = array<i32>} : memref<8x200x32xf32, #tpu.memory_space<vmem>>, vector<1x1x16xf32>,
        %swap3A_230 = arith.constant 3 : i32
        %swap3A_231 = arith.index_cast %swap3A_230 : i32 to index
        %swap3A_232 = arith.index_cast %scan3A_206 : i32 to index
        %swap3A_233 = arith.constant 0 : index
        %swap3A_234 = tpu.vector_load %arg7[%swap3A_231, %swap3A_232, %swap3A_233] {strides = array<i32>} : memref<8x200x32xf32, #tpu.memory_space<vmem>>, vector<1x1x16xf32>,
        %swap3A_235 = vector.shape_cast %swap3A_234 : vector<1x1x16xf32> to vector<16xf32>
        %swap3A_236 = vector.shape_cast %get3A_209 : vector<16xf32> to vector<1x1x16xf32>
        tpu.vector_store %arg7[%swap3A_231, %swap3A_232, %swap3A_233], %swap3A_236 {add = true, strides = array<i32>} : memref<8x200x32xf32, #tpu.memory_space<vmem>>, vector<1x1x16xf32>,
        %swap3A_237 = arith.constant 4 : i32
        %swap3A_238 = arith.index_cast %swap3A_237 : i32 to index
        %swap3A_239 = arith.index_cast %scan3A_206 : i32 to index
        %swap3A_240 = arith.constant 0 : index
        %swap3A_241 = tpu.vector_load %arg7[%swap3A_238, %swap3A_239, %swap3A_240] {strides = array<i32>} : memref<8x200x32xf32, #tpu.memory_space<vmem>>, vector<1x1x16xf32>,
        %swap3A_242 = vector.shape_cast %swap3A_241 : vector<1x1x16xf32> to vector<16xf32>
        %swap3A_243 = vector.shape_cast %get3A_209 : vector<16xf32> to vector<1x1x16xf32>
        tpu.vector_store %arg7[%swap3A_238, %swap3A_239, %swap3A_240], %swap3A_243 {add = true, strides = array<i32>} : memref<8x200x32xf32, #tpu.memory_space<vmem>>, vector<1x1x16xf32>,
        %swap3A_244 = arith.constant 5 : i32
        %swap3A_245 = arith.index_cast %swap3A_244 : i32 to index
        %swap3A_246 = arith.index_cast %scan3A_206 : i32 to index
        %swap3A_247 = arith.constant 0 : index
        %swap3A_248 = tpu.vector_load %arg7[%swap3A_245, %swap3A_246, %swap3A_247] {strides = array<i32>} : memref<8x200x32xf32, #tpu.memory_space<vmem>>, vector<1x1x16xf32>,
        %swap3A_249 = vector.shape_cast %swap3A_248 : vector<1x1x16xf32> to vector<16xf32>
        %swap3A_250 = vector.shape_cast %get3A_209 : vector<16xf32> to vector<1x1x16xf32>
        tpu.vector_store %arg7[%swap3A_245, %swap3A_246, %swap3A_247], %swap3A_250 {add = true, strides = array<i32>} : memref<8x200x32xf32, #tpu.memory_space<vmem>>, vector<1x1x16xf32>,
        %swap3A_251 = arith.constant 6 : i32
        %swap3A_252 = arith.index_cast %swap3A_251 : i32 to index
        %swap3A_253 = arith.index_cast %scan3A_206 : i32 to index
        %swap3A_254 = arith.constant 0 : index
        %swap3A_255 = tpu.vector_load %arg7[%swap3A_252, %swap3A_253, %swap3A_254] {strides = array<i32>} : memref<8x200x32xf32, #tpu.memory_space<vmem>>, vector<1x1x16xf32>,
        %swap3A_256 = vector.shape_cast %swap3A_255 : vector<1x1x16xf32> to vector<16xf32>
        %swap3A_257 = vector.shape_cast %get3A_209 : vector<16xf32> to vector<1x1x16xf32>
        tpu.vector_store %arg7[%swap3A_252, %swap3A_253, %swap3A_254], %swap3A_257 {add = true, strides = array<i32>} : memref<8x200x32xf32, #tpu.memory_space<vmem>>, vector<1x1x16xf32>,
        %swap3A_258 = arith.constant 7 : i32
        %swap3A_259 = arith.index_cast %swap3A_258 : i32 to index
        %swap3A_260 = arith.index_cast %scan3A_206 : i32 to index
        %swap3A_261 = arith.constant 0 : index
        %swap3A_262 = tpu.vector_load %arg7[%swap3A_259, %swap3A_260, %swap3A_261] {strides = array<i32>} : memref<8x200x32xf32, #tpu.memory_space<vmem>>, vector<1x1x16xf32>,
        %swap3A_263 = vector.shape_cast %swap3A_262 : vector<1x1x16xf32> to vector<16xf32>
        %swap3A_264 = vector.shape_cast %get3A_209 : vector<16xf32> to vector<1x1x16xf32>
        tpu.vector_store %arg7[%swap3A_259, %swap3A_260, %swap3A_261], %swap3A_264 {add = true, strides = array<i32>} : memref<8x200x32xf32, #tpu.memory_space<vmem>>, vector<1x1x16xf32>,
        %get3A_265 = arith.index_cast %scan3A_206 : i32 to index
        %get3A_266 = arith.constant 16 : index
        %get3A_267 = tpu.vector_load %arg8[%get3A_265, %get3A_266] {strides = array<i32>} : memref<200x32xf32, #tpu.memory_space<vmem>>, vector<1x16xf32>,
        %get3A_268 = vector.shape_cast %get3A_267 : vector<1x16xf32> to vector<16xf32>
        %swap3A_269 = arith.constant 0 : i32
        %swap3A_270 = arith.index_cast %swap3A_269 : i32 to index
        %swap3A_271 = arith.index_cast %scan3A_206 : i32 to index
        %swap3A_272 = arith.constant 16 : index
        %swap3A_273 = tpu.vector_load %arg7[%swap3A_270, %swap3A_271, %swap3A_272] {strides = array<i32>} : memref<8x200x32xf32, #tpu.memory_space<vmem>>, vector<1x1x16xf32>,
        %swap3A_274 = vector.shape_cast %swap3A_273 : vector<1x1x16xf32> to vector<16xf32>
        %swap3A_275 = vector.shape_cast %get3A_268 : vector<16xf32> to vector<1x1x16xf32>
        tpu.vector_store %arg7[%swap3A_270, %swap3A_271, %swap3A_272], %swap3A_275 {add = true, strides = array<i32>} : memref<8x200x32xf32, #tpu.memory_space<vmem>>, vector<1x1x16xf32>,
        %swap3A_276 = arith.constant 1 : i32
        %swap3A_277 = arith.index_cast %swap3A_276 : i32 to index
        %swap3A_278 = arith.index_cast %scan3A_206 : i32 to index
        %swap3A_279 = arith.constant 16 : index
        %swap3A_280 = tpu.vector_load %arg7[%swap3A_277, %swap3A_278, %swap3A_279] {strides = array<i32>} : memref<8x200x32xf32, #tpu.memory_space<vmem>>, vector<1x1x16xf32>,
        %swap3A_281 = vector.shape_cast %swap3A_280 : vector<1x1x16xf32> to vector<16xf32>
        %swap3A_282 = vector.shape_cast %get3A_268 : vector<16xf32> to vector<1x1x16xf32>
        tpu.vector_store %arg7[%swap3A_277, %swap3A_278, %swap3A_279], %swap3A_282 {add = true, strides = array<i32>} : memref<8x200x32xf32, #tpu.memory_space<vmem>>, vector<1x1x16xf32>,
        %swap3A_283 = arith.constant 2 : i32
        %swap3A_284 = arith.index_cast %swap3A_283 : i32 to index
        %swap3A_285 = arith.index_cast %scan3A_206 : i32 to index
        %swap3A_286 = arith.constant 16 : index
        %swap3A_287 = tpu.vector_load %arg7[%swap3A_284, %swap3A_285, %swap3A_286] {strides = array<i32>} : memref<8x200x32xf32, #tpu.memory_space<vmem>>, vector<1x1x16xf32>,
        %swap3A_288 = vector.shape_cast %swap3A_287 : vector<1x1x16xf32> to vector<16xf32>
        %swap3A_289 = vector.shape_cast %get3A_268 : vector<16xf32> to vector<1x1x16xf32>
        tpu.vector_store %arg7[%swap3A_284, %swap3A_285, %swap3A_286], %swap3A_289 {add = true, strides = array<i32>} : memref<8x200x32xf32, #tpu.memory_space<vmem>>, vector<1x1x16xf32>,
        %swap3A_290 = arith.constant 3 : i32
        %swap3A_291 = arith.index_cast %swap3A_290 : i32 to index
        %swap3A_292 = arith.index_cast %scan3A_206 : i32 to index
        %swap3A_293 = arith.constant 16 : index
        %swap3A_294 = tpu.vector_load %arg7[%swap3A_291, %swap3A_292, %swap3A_293] {strides = array<i32>} : memref<8x200x32xf32, #tpu.memory_space<vmem>>, vector<1x1x16xf32>,
        %swap3A_295 = vector.shape_cast %swap3A_294 : vector<1x1x16xf32> to vector<16xf32>
        %swap3A_296 = vector.shape_cast %get3A_268 : vector<16xf32> to vector<1x1x16xf32>
        tpu.vector_store %arg7[%swap3A_291, %swap3A_292, %swap3A_293], %swap3A_296 {add = true, strides = array<i32>} : memref<8x200x32xf32, #tpu.memory_space<vmem>>, vector<1x1x16xf32>,
        %swap3A_297 = arith.constant 4 : i32
        %swap3A_298 = arith.index_cast %swap3A_297 : i32 to index
        %swap3A_299 = arith.index_cast %scan3A_206 : i32 to index
        %swap3A_300 = arith.constant 16 : index
        %swap3A_301 = tpu.vector_load %arg7[%swap3A_298, %swap3A_299, %swap3A_300] {strides = array<i32>} : memref<8x200x32xf32, #tpu.memory_space<vmem>>, vector<1x1x16xf32>,
        %swap3A_302 = vector.shape_cast %swap3A_301 : vector<1x1x16xf32> to vector<16xf32>
        %swap3A_303 = vector.shape_cast %get3A_268 : vector<16xf32> to vector<1x1x16xf32>
        tpu.vector_store %arg7[%swap3A_298, %swap3A_299, %swap3A_300], %swap3A_303 {add = true, strides = array<i32>} : memref<8x200x32xf32, #tpu.memory_space<vmem>>, vector<1x1x16xf32>,
        %swap3A_304 = arith.constant 5 : i32
        %swap3A_305 = arith.index_cast %swap3A_304 : i32 to index
        %swap3A_306 = arith.index_cast %scan3A_206 : i32 to index
        %swap3A_307 = arith.constant 16 : index
        %swap3A_308 = tpu.vector_load %arg7[%swap3A_305, %swap3A_306, %swap3A_307] {strides = array<i32>} : memref<8x200x32xf32, #tpu.memory_space<vmem>>, vector<1x1x16xf32>,
        %swap3A_309 = vector.shape_cast %swap3A_308 : vector<1x1x16xf32> to vector<16xf32>
        %swap3A_310 = vector.shape_cast %get3A_268 : vector<16xf32> to vector<1x1x16xf32>
        tpu.vector_store %arg7[%swap3A_305, %swap3A_306, %swap3A_307], %swap3A_310 {add = true, strides = array<i32>} : memref<8x200x32xf32, #tpu.memory_space<vmem>>, vector<1x1x16xf32>,
        %swap3A_311 = arith.constant 6 : i32
        %swap3A_312 = arith.index_cast %swap3A_311 : i32 to index
        %swap3A_313 = arith.index_cast %scan3A_206 : i32 to index
        %swap3A_314 = arith.constant 16 : index
        %swap3A_315 = tpu.vector_load %arg7[%swap3A_312, %swap3A_313, %swap3A_314] {strides = array<i32>} : memref<8x200x32xf32, #tpu.memory_space<vmem>>, vector<1x1x16xf32>,
        %swap3A_316 = vector.shape_cast %swap3A_315 : vector<1x1x16xf32> to vector<16xf32>
        %swap3A_317 = vector.shape_cast %get3A_268 : vector<16xf32> to vector<1x1x16xf32>
        tpu.vector_store %arg7[%swap3A_312, %swap3A_313, %swap3A_314], %swap3A_317 {add = true, strides = array<i32>} : memref<8x200x32xf32, #tpu.memory_space<vmem>>, vector<1x1x16xf32>,
        %swap3A_318 = arith.constant 7 : i32
        %swap3A_319 = arith.index_cast %swap3A_318 : i32 to index
        %swap3A_320 = arith.index_cast %scan3A_206 : i32 to index
        %swap3A_321 = arith.constant 16 : index
        %swap3A_322 = tpu.vector_load %arg7[%swap3A_319, %swap3A_320, %swap3A_321] {strides = array<i32>} : memref<8x200x32xf32, #tpu.memory_space<vmem>>, vector<1x1x16xf32>,
        %swap3A_323 = vector.shape_cast %swap3A_322 : vector<1x1x16xf32> to vector<16xf32>
        %swap3A_324 = vector.shape_cast %get3A_268 : vector<16xf32> to vector<1x1x16xf32>
        tpu.vector_store %arg7[%swap3A_319, %swap3A_320, %swap3A_321], %swap3A_324 {add = true, strides = array<i32>} : memref<8x200x32xf32, #tpu.memory_space<vmem>>, vector<1x1x16xf32>,
      }
      %scan3A_205 = arith.constant 200 : i32
      "tpu.region"() ({
        %run_scoped3A = tpu.sem_alloc : memref<!tpu.dma_semaphore, #tpu.memory_space<semaphore_mem>>
        %dma_start3A_206 = arith.constant 0 : i32
        %dma_start3A_207 = arith.constant 0 : i32
        %dma_start3A_208 = tpu.memref_slice %arg5[%add3A_10, %dma_start3A_206, %dma_start3A_207] : memref<4096x200x32xf32, #tpu.memory_space<hbm>> -> memref<8x200x32xf32, #tpu.memory_space<hbm>>
        %dma_start3A_209 = arith.constant 0 : i32
        %dma_start3A_210 = arith.constant 0 : i32
        %dma_start3A_211 = tpu.memref_slice %arg5[%add3A_10, %dma_start3A_209, %dma_start3A_210] : memref<4096x200x32xf32, #tpu.memory_space<hbm>> -> memref<8x200x32xf32, #tpu.memory_space<hbm>>
        tpu.enqueue_dma source(%arg7 : memref<8x200x32xf32, #tpu.memory_space<vmem>>) target(%dma_start3A_211 : memref<8x200x32xf32, #tpu.memory_space<hbm>>) target_semaphore(%run_scoped3A : memref<!tpu.dma_semaphore, #tpu.memory_space<semaphore_mem>>)
        %dma_wait3A_212 = arith.constant 0 : i32
        %dma_wait3A_213 = arith.constant 0 : i32
        %dma_wait3A_214 = tpu.memref_slice %arg5[%add3A_10, %dma_wait3A_212, %dma_wait3A_213] : memref<4096x200x32xf32, #tpu.memory_space<hbm>> -> memref<8x200x32xf32, #tpu.memory_space<hbm>>
        %dma_wait3A_215 = arith.constant 0 : i32
        %dma_wait3A_216 = arith.constant 0 : i32
        %dma_wait3A_217 = tpu.memref_slice %arg5[%add3A_10, %dma_wait3A_215, %dma_wait3A_216] : memref<4096x200x32xf32, #tpu.memory_space<hbm>> -> memref<8x200x32xf32, #tpu.memory_space<hbm>>
        tpu.wait_dma2 semaphore(%run_scoped3A : memref<!tpu.dma_semaphore, #tpu.memory_space<semaphore_mem>>) src(%arg7 : memref<8x200x32xf32, #tpu.memory_space<vmem>>) dst(%dma_wait3A_217 : memref<8x200x32xf32, #tpu.memory_space<hbm>>)
        tpu.yield
      }) : () -> ()
    }
    %scan3A_6 = arith.constant 16 : i32
    return
  }
}

</mosaic_0001>

<sc_bundles>
// kernel: kernel.3.cloned.1.call-start
scs
__scs_entry_jumppad:
0x0: {  	(pc) =	sbr.rel $0x88, $3  }
0x1: {  	(tag) =	ssettag $0x0;
	lr =	simm.s32 $0x1  }
0x2: {  	[smem:$0x3F9E] =	sst lr;
	_ =	strace $0xD0000000  }
0x3: {  	_ = 	snop  }
0x4: {  	_ = 	snop  }
0x5: {  	_ = 	snop  }
0x6: {  	_ = 	snop  }
0x7: {  	_ = 	snop  }
__scs_overlays_trampoline_lowered:
0x8: {  	[smem:$0x3FAD] =	sst s0  }
0x9: {  	[smem:$0x3FAE] =	sst s1  }
0xa: {  	[smem:$0x3FAF] =	sst s2  }
0xb: {  	[smem:$0x3FB0] =	sst s3  }
0xc: {  	[smem:$0x3FB1] =	sst s4  }
0xd: {  	[smem:$0x3FB2] =	sst s5  }
0xe: {  	[smem:$0x3FB3] =	sst s6  }
0xf: {  	[smem:$0x3FB4] =	sst s7  }
0x10: {  	[smem:$0x3FB5] =	sst s8  }
0x11: {  	[smem:$0x3FB6] =	sst s9;
	s0 =	simm.s32 @!p0 $0x0  }
0x12: {  	s1 =	sld [smem:$0x3F9C];
	s0 =	simm.s32 @p0 $0x1  }
0x13: {  	[smem:$0x3FB7] =	sst s0;
	s0 =	simm.s32 @!p1 $0x0  }
0x14: {  	s2 =	sld [smem:$0x3F9B];
	s0 =	simm.s32 @p1 $0x1  }
0x15: {  	[smem:$0x3FB8] =	sst s0;
	s0 =	simm.s32 @!p2 $0x0  }
0x16: {  	s3 =	sld [smem:$0x3FDB];
	s0 =	simm.s32 @p2 $0x1  }
0x17: {  	s4 =	simm.s32 $0x1BF5;
	[smem:$0x3FBA] =	sst s0  }
0x18: {  	s0 =	sld [smem:$0x3F9D];
	_ =	swait.ge [sflag:s4], $0x0  }
0x19: {  	s7 =	sld [smem:$0x3F9E]  }
0x1a: {  	s8 =	sadd.s32 $0xFFFFE003, lr  }
0x1b: {  	s9 =	sadd.s32 $0xFFFFFEF7, lr;
	s5 =	simm.s32 $0xFFFFFFFF;
	p2 =	slt.u32 s8, $0xFFFFF086  }
0x1c: {  	p1 =	slt.u32 s9, $0xF7A;
	s5 =	simm.s32 @!p2 $0x0  }
0x1d: {  	s5 =	simm.s32 @p1 $0x1;
	p0 =	seq.s32 s7, s2  }
0x1e: {  	s7 =	smul.u32 @!p0 $0xF7A, s2;
	p2 =	seq.s32 @!p0 s5, $0x0  }
0x1f: {  	s9 =	smul.u32 $0xF7A, s1;
	s8 =	simm.s32 @!p0 $0x1BF5;
	p2 =	por !p2, p0  }
0x20: {  	[sflag:s8] =	ssyncset.s32 @!p0 $0xFFFFF086;
	s6 =	sadd.s32 @!p0 s3, s7;
	s7 =	simm.s32 @!p0 $0x108  }
0x21: {  	s3 =	sadd.s32 s3, s9;
	s6 =	sadd.s32 @!p0 $0x88, s6;
	s7 =	simm.s32 @p2 $0x1082  }
0x22: {  	[simem:s7], [sflag:s8] =	dma.local @!p0 [hbm:s6], $0xF7A  }
0x23: {  	s9 =	sor.u32 $0xD0000000, s2;
	s6 =	simm.s32 $0x108;
	_ =	swait.ge @!p0 [sflag:s8], $0x0  }
0x24: {  	s3 =	sadd.s32 $0x88, s3;
	s6 =	simm.s32 @!p1 $0x1082;
	[sflag:s4] =	ssyncset.s32 $0xFFFFF086  }
0x25: {  	[simem:s6], [sflag:s4] =	dma.local [hbm:s3], $0xF7A  }
0x26: {  	[smem:$0x3F9E] =	sst s1;
	(tag) =	ssettag s2;
	_ =	strace s9  }
0x27: {  	s1 =	sld [smem:$0x3FAE]  }
0x28: {  	s2 =	sld [smem:$0x3FAF]  }
0x29: {  	s4 =	sld [smem:$0x3FB1]  }
0x2a: {  	p0 =	seq.s32 s5, $0x0;
	s5 =	sld [smem:$0x3FB2]  }
0x2b: {  	s6 =	sld [smem:$0x3FB3]  }
0x2c: {  	s7 =	sld [smem:$0x3FB4]  }
0x2d: {  	s3 =	simm.s32 $0x108;
	s8 =	sld [smem:$0x3FB5]  }
0x2e: {  	s3 =	simm.s32 @!p0 $0x1082;
	s9 =	sld [smem:$0x3FB6]  }
0x2f: {  	lr =	sadd.s32 s0, s3;
	s0 =	sld [smem:$0x3FAD]  }
0x30: {  	s3 =	sld [smem:$0x3FB0]  }
0x31: {  	[smem:$0x3FB9] =	sst s10  }
0x32: {  	s10 =	sld [smem:$0x3FB7];
	_ =	sdelay $0x3  }
0x33: {  	p0 =	seq.s32 s10, $0x1;
	s10 =	sld [smem:$0x3FB9];
	_ =	sdelay $0x3  }
0x34: {  	[smem:$0x3FB9] =	sst s10  }
0x35: {  	s10 =	sld [smem:$0x3FB8];
	_ =	sdelay $0x3  }
0x36: {  	p1 =	seq.s32 s10, $0x1;
	s10 =	sld [smem:$0x3FB9];
	_ =	sdelay $0x3  }
0x37: {  	[smem:$0x3FB9] =	sst s10  }
0x38: {  	s10 =	sld [smem:$0x3FBA]  }
0x39: {  	_ = 	snop;
	(pc) =	sbr.ind lr, $3  }
0x3a: {  	_ = 	snop  }
0x3b: {  	_ = 	snop  }
0x3c: {  	p2 =	seq.s32 s10, $0x1;
	s10 =	sld [smem:$0x3FB9]  }
0x3d: {  	_ =	shalt  }
0x3e: {  	_ =	shalt  }
0x3f: {  	_ =	shalt  }
0x40: {  	_ =	shalt  }
0x41: {  	_ =	shalt  }
0x42: {  	_ =	shalt  }
0x43: {  	_ =	shalt  }
0x44: {  	_ =	shalt  }
0x45: {  	_ =	shalt  }
0x46: {  	_ =	shalt  }
0x47: {  	_ =	shalt  }
0x48: {  	_ =	shalt  }
0x49: {  	_ =	shalt  }
0x4a: {  	_ =	shalt  }
0x4b: {  	_ =	shalt  }
0x4c: {  	_ =	shalt  }
0x4d: {  	_ =	shalt  }
0x4e: {  	_ =	shalt  }
0x4f: {  	_ =	shalt  }
0x50: {  	_ =	shalt  }
0x51: {  	_ =	shalt  }
0x52: {  	_ =	shalt  }
0x53: {  	_ =	shalt  }
0x54: {  	_ =	shalt  }
0x55: {  	_ =	shalt  }
0x56: {  	_ =	shalt  }
0x57: {  	_ =	shalt  }
0x58: {  	_ =	shalt  }
0x59: {  	_ =	shalt  }
0x5a: {  	_ =	shalt  }
0x5b: {  	_ =	shalt  }
0x5c: {  	_ =	shalt  }
0x5d: {  	_ =	shalt  }
0x5e: {  	_ =	shalt  }
0x5f: {  	_ =	shalt  }
0x60: {  	_ =	shalt  }
0x61: {  	_ =	shalt  }
0x62: {  	_ =	shalt  }
0x63: {  	_ =	shalt  }
0x64: {  	_ =	shalt  }
0x65: {  	_ =	shalt  }
0x66: {  	_ =	shalt  }
0x67: {  	_ =	shalt  }
0x68: {  	_ =	shalt  }
0x69: {  	_ =	shalt  }
0x6a: {  	_ =	shalt  }
0x6b: {  	_ =	shalt  }
0x6c: {  	_ =	shalt  }
0x6d: {  	_ =	shalt  }
0x6e: {  	_ =	shalt  }
0x6f: {  	_ =	shalt  }
0x70: {  	_ =	shalt  }
0x71: {  	_ =	shalt  }
0x72: {  	_ =	shalt  }
0x73: {  	_ =	shalt  }
0x74: {  	_ =	shalt  }
0x75: {  	_ =	shalt  }
0x76: {  	_ =	shalt  }
0x77: {  	_ =	shalt  }
0x78: {  	_ =	shalt  }
0x79: {  	_ =	shalt  }
0x7a: {  	_ =	shalt  }
0x7b: {  	_ =	shalt  }
0x7c: {  	_ =	shalt  }
0x7d: {  	_ =	shalt  }
0x7e: {  	_ =	shalt  }
0x7f: {  	_ =	shalt  }
0x80: {  	_ =	shalt  }
0x81: {  	_ =	shalt  }
0x82: {  	_ =	shalt  }
0x83: {  	_ =	shalt  }
0x84: {  	_ =	shalt  }
0x85: {  	_ =	shalt  }
0x86: {  	_ =	shalt  }
0x87: {  	_ =	shalt  }
.Lfunc_end0:
.L_simem_size_0:
called_computation.1_lowered:
.L_overlay_start_0:
0x88: {  	s2 =	sld [smem:$0x3FD9]  }
0x89: {  	s3 =	sld [smem:$0x3FFE];
	_ =	sdelay $0x1  }
0x8a: {  	s1 =	srdreg.scid  }
0x8b: {  	s0 =	sand.u32 $0x1, s1  }
0x8c: {  	s17 =	sshll.u32 s0, $0xA;
	s2 =	sadd.s32 s3, s2  }
0x8d: {  	s2 =	sadd.s32 s2, s17  }
0x8e: {  	[smem:$0x3FC5] =	sst s2  }
0x8f: {  	_ = 	snop  }
0x90: {  	s2 =	sld [smem:$0x3FD0];
	(tm) =	ssettm $0x1  }
0x91: {  	s18 =	sld [smem:$0x3FFB];
	_ =	sdelay $0x3  }
0x92: {  	_ =	strace s18  }
0x93: {  	s3 =	sld [smem:$0x3FFC];
	_ =	sdelay $0x3  }
0x94: {  	_ =	strace s3  }
0x95: {  	s3 =	sld [smem:$0x3FFD];
	_ =	sdelay $0x3  }
0x96: {  	_ =	strace s3  }
0x97: {  	_ =	strace $0x8FFFFFFF  }
0x98: {  	s19 =	sld [smem:$0x3FDB];
	_ =	sdelay $0x1  }
0x99: {  	s4 =	simm.s32 $_scs_section_size  }
0x9a: {  	s5 =	simm.s32 $_size__tile_overlayer_lowered;
	s6 =	simm.s32 $_tile_overlayer_lowered  }
0x9b: {  	s22 =	simm.s32 $0x1BFF;
	s21 =	sshll.u32 s6, $0x1;
	s3 =	sadd.s32 s4, s19  }
0x9c: {  	s7 =	simm.s32 $0x0;
	s20 =	sshll.u32 s5, $0x1;
	s5 =	sadd.s32 s21, s3  }
0x9d: {  	[timem:s7], [sflag:s22] =	dma.local [hbm:s5], s20  }
0x9e: {  	_ =	swait.ge [sflag:s22], s20  }
0x9f: {  	s4 =	ssub.s32 $0x0, s20;
	[sflag:s22] =	ssyncset.done $0x0  }
0xa0: {  	[sflag:s22] =	ssyncadd.s32 s4;
	_ =	sdelay $0x1  }
0xa1: {  	s23 =	simm.s32 $0x1B8B  }
0xa2: {  	_ =	swait.ge [sflag:s23], $0x1  }
0xa3: {  	[sflag:s23] =	ssyncset.done $0x0  }
0xa4: {  	s25 =	simm.s32 $0x1B8E;
	s24 =	sld [smem:$0x3FFE];
	[sflag:s23] =	ssyncadd.s32 $0xFFFFFFFF  }
0xa5: {  	s26 =	simm.s32 $execute0_lowered;
	[smem:$0x3FD2] =	sst s25  }
0xa6: {  	s5 =	sshll.u32 s26, $0x1;
	_ =	strace $0x80000046;
	[dreg:$0x1] =	wrdreg $0xFFFFFFFF  }
0xa7: {  	s28 =	simm.s32 $_size_execute0_lowered;
	s3 =	sadd.s32 s3, s5;
	[dreg:$0x0] =	wrdreg $0x0  }
0xa8: {  	s5 =	sshll.u32 s28, $0x1;
	[dreg:$0x2] =	wrdreg s3  }
0xa9: {  	[dreg:$0x3] =	wrdreg s5  }
0xaa: {  	[dreg:$0x4] =	wrdreg $0xC0  }
0xab: {  	_ =	task [dreg:s7], $0x5FFFF  }
0xac: {  	[dreg:$0x1] =	wrdreg $0xFFFFFFFF  }
0xad: {  	[dreg:$0x0] =	wrdreg $0x60  }
0xae: {  	[dreg:$0x2] =	wrdreg s24  }
0xaf: {  	[dreg:$0x3] =	wrdreg s2  }
0xb0: {  	[dreg:$0x4] =	wrdreg $0x9  }
0xb1: {  	_ =	task.clear_ibuf [dreg:s7], $0x5FFFF;
	_ =	strace $0x90000046  }
0xb2: {  	s29 =	simm.s32 $0x9;
	_ =	strace $0x80000048  }
0xb3: {  	_ =	swait.ge [sflag:s29], $0x1  }
0xb4: {  	[sflag:s29] =	ssyncadd.s32 $0xFFFFFFFF  }
0xb5: {  	_ =	strace $0x90000048  }
0xb6: {  	_ =	sfence  }
0xb7: {  	s30 =	sld [smem:$0x0];
	_ =	sdelay $0x2  }
0xb8: {  	s31 =	sshll.u32 s1, $0xD;
	s1 =	sshrl.u32 s1, $0x2  }
0xb9: {  	s3 =	sand.u32 $0x4000, s31;
	s1 =	sadd.s32 s1, s30  }
0xba: {  	s0 =	sor.u32 s3, s0;
	s1 =	sshll.u32 s1, $0x11  }
0xbb: {  	s0 =	sor.u32 s1, s0  }
0xbc: {  	s0 =	sadd.s32 $0x8F2B, s0  }
0xbd: {  	[sflag:s0] =	ssyncadd.remote.s32 $0x1  }
0xbe: {  	_ =	sfence.sel $0xFFFF  }
0xbf: {  	[dreg:$0x0] =	wrdreg $0xFFFFFFFF;
	(pc) =	sbr.abs _section_cstart, $3  }
0xc0: {  	[dreg:$0x1] =	wrdreg $0xFFFFFFFF  }
0xc1: {  	_ =	task.clear_ibuf [dreg:s7], $0x2FFFF;
	_ =	strace $0x9FFFFFFF  }
0xc2: {  	(tm) =	ssettm $0x7FFFFFFF  }
0xc3: {  	_ =	shalt  }
tec
execute0_lowered:
.L_overlay_start_1:
0x0: {  	(tag) =	ssettag $0x1  }
0x1: {  	s0 =	rddreg [dreg:$0x0]  }
0x2: {  	s1 =	rddreg [dreg:$0x1];
	s2 =	simm.s32 $0x0;
	s3 =	srdreg.scid  }
0x3: {  	s8 =	stileid.u32;
	s9 =	simm.s32 $0xCE40;
	s10 =	simm.s32 $0x2  }
0x4: {  	s11 =	simm.s32 $0xC8;
	s12 =	simm.s32 $0x640;
	s13 =	simm.s32 $0x1F40  }
0x5: {  	s14 =	simm.s32 $0x190;
	s15 =	simm.s32 $0x3840;
	s16 =	simm.s32 $0x258  }
0x6: {  	s17 =	simm.s32 $0x5140;
	s18 =	simm.s32 $0x320;
	s19 =	simm.s32 $0x6A40  }
0x7: {  	s20 =	simm.s32 $0x3E8;
	s21 =	simm.s32 $0x8340;
	s22 =	simm.s32 $0x4B0  }
0x8: {  	s23 =	simm.s32 $0x9C40;
	s24 =	simm.s32 $0x578;
	s25 =	simm.s32 $0xB540  }
0x9: {  	s26 =	simm.s32 $0x1;
	s28 =	simm.s32 $0x0;
	s3 =	sand.u32 $0x1, s3  }
0xa: {  	[smem:$0x7FF] =	sst s2;
	s4 =	sadd.s32 $0xC00, s0;
	s7 =	ssub.s32 $0x2, s3  }
0xb: {  	s5 =	sadd.s32 $0xF43000, s0;
	s6 =	sadd.s32 $0x19C00, s0;
	s30 =	sshrl.u32 s7, $0x1  }
0xc: {  	s31 =	sshll.u32 s8, $0x8;
	s3 =	sshll.u32 s3, $0x7;
	s0 =	ssub.s32 s7, s30  }
0xd: {  	_ =	strace $0x80000047;
	s7 =	sor.u32 s3, s31;
	s8 =	smax.u32 s0, $0x1  }
.LBB2_1:
0xe: {  	[tilespmem:s9], [sflag:$0x2] =	stream.linear.gather [hbm4b:s6+s2], $0x1900, $0x38;
	[tilespmem:$0xE740] =	vst v63  }
0xf: {  	_ =	swait.ge [sflag:s10], $0x1900  }
0x10: {  	[sflag:s10] =	ssyncset.done $0x0  }
0x11: {  	s29 =	simm.s32 $0x0;
	[sflag:s10] =	ssyncadd.s32 $0xFFFFE700  }
.LBB2_2:
0x12: {  	s0 =	sshll.u32 s29, $0x3  }
0x13: {  	s30 =	sadd.s32 s7, s0  }
0x14: {  	s0 =	smul.u32 $0x19, s30;
	_ =	sdelay $0x1  }
0x15: {  	s3 =	simm.s32 $0x0;
	s0 =	sadd.s32 s4, s0  }
0x16: {  	[tilespmem:s3], [sflag:$0x2] =	stream.linear.gather [hbm4b:s0+s3], $0x640, $0x38;
	[tilespmem:$0xE740] =	vst v63  }
0x17: {  	_ =	swait.ge [sflag:s10], $0x640  }
0x18: {  	[sflag:s10] =	ssyncset.done $0x0  }
0x19: {  	[sflag:s10] =	ssyncadd.s32 $0xFFFFF9C0  }
0x1a: {  	[tilespmem:s12], [sflag:$0x1] =	stream.indirect.gather [hbm4b:s5+s11], $0x20, s3, s11, $0xb8;
	[tilespmem:$0xE740] =	vst v63  }
0x1b: {  	_ = 	snop  }
0x1c: {  	[tilespmem:s13], [sflag:$0x1] =	stream.indirect.gather [hbm4b:s5+s11], $0x20, s11, s11, $0xb8;
	[tilespmem:$0xE740] =	vst v63  }
0x1d: {  	_ = 	snop  }
0x1e: {  	[tilespmem:s15], [sflag:$0x1] =	stream.indirect.gather [hbm4b:s5+s11], $0x20, s14, s11, $0xb8;
	[tilespmem:$0xE740] =	vst v63  }
0x1f: {  	_ = 	snop  }
0x20: {  	[tilespmem:s17], [sflag:$0x1] =	stream.indirect.gather [hbm4b:s5+s11], $0x20, s16, s11, $0xb8;
	[tilespmem:$0xE740] =	vst v63  }
0x21: {  	_ = 	snop  }
0x22: {  	[tilespmem:s19], [sflag:$0x1] =	stream.indirect.gather [hbm4b:s5+s11], $0x20, s18, s11, $0xb8;
	[tilespmem:$0xE740] =	vst v63  }
0x23: {  	_ = 	snop  }
0x24: {  	[tilespmem:s21], [sflag:$0x1] =	stream.indirect.gather [hbm4b:s5+s11], $0x20, s20, s11, $0xb8;
	[tilespmem:$0xE740] =	vst v63  }
0x25: {  	_ = 	snop  }
0x26: {  	[tilespmem:s23], [sflag:$0x1] =	stream.indirect.gather [hbm4b:s5+s11], $0x20, s22, s11, $0xb8;
	[tilespmem:$0xE740] =	vst v63  }
0x27: {  	_ = 	snop  }
0x28: {  	[tilespmem:s25], [sflag:$0x1] =	stream.indirect.gather [hbm4b:s5+s11], $0x20, s24, s11, $0xb8;
	[tilespmem:$0xE740] =	vst v63  }
0x29: {  	_ =	swait.ge [sflag:s26], $0x1900  }
0x2a: {  	[sflag:s26] =	ssyncset.done $0x0  }
0x2b: {  	[sflag:s26] =	ssyncadd.s32 $0xFFFFE700  }
0x2c: {  	_ =	swait.ge [sflag:s26], $0x1900  }
0x2d: {  	[sflag:s26] =	ssyncset.done $0x0  }
0x2e: {  	[sflag:s26] =	ssyncadd.s32 $0xFFFFE700  }
0x2f: {  	_ =	swait.ge [sflag:s26], $0x1900  }
0x30: {  	[sflag:s26] =	ssyncset.done $0x0  }
0x31: {  	[sflag:s26] =	ssyncadd.s32 $0xFFFFE700  }
0x32: {  	_ =	swait.ge [sflag:s26], $0x1900  }
0x33: {  	[sflag:s26] =	ssyncset.done $0x0  }
0x34: {  	[sflag:s26] =	ssyncadd.s32 $0xFFFFE700  }
0x35: {  	_ =	swait.ge [sflag:s26], $0x1900  }
0x36: {  	[sflag:s26] =	ssyncset.done $0x0  }
0x37: {  	[sflag:s26] =	ssyncadd.s32 $0xFFFFE700  }
0x38: {  	_ =	swait.ge [sflag:s26], $0x1900  }
0x39: {  	[sflag:s26] =	ssyncset.done $0x0  }
0x3a: {  	[sflag:s26] =	ssyncadd.s32 $0xFFFFE700  }
0x3b: {  	_ =	swait.ge [sflag:s26], $0x1900  }
0x3c: {  	[sflag:s26] =	ssyncset.done $0x0  }
0x3d: {  	[sflag:s26] =	ssyncadd.s32 $0xFFFFE700  }
0x3e: {  	_ =	swait.ge [sflag:s26], $0x1900  }
0x3f: {  	[sflag:s26] =	ssyncset.done $0x0  }
0x40: {  	s31 =	simm.s32 $0x0;
	[sflag:s26] =	ssyncadd.s32 $0xFFFFE700  }
0x41: {  	v0 =	vld [tilespmem:s31+$0xCE50]  }
0x42: {  	v1 =	vld [tilespmem:s31+$0xCE40];
	_ =	sdelay $0x3  }
0x43: {  	[tilespmem:s31+$0xB550] =	vst.add.f32.msk $0xffff, v0  }
0x44: {  	[tilespmem:s31+$0x640] =	vst.add.f32.msk $0xffff, v1  }
0x45: {  	[tilespmem:s31+$0x1F40] =	vst.add.f32.msk $0xffff, v1  }
0x46: {  	[tilespmem:s31+$0x3840] =	vst.add.f32.msk $0xffff, v1  }
0x47: {  	[tilespmem:s31+$0x5140] =	vst.add.f32.msk $0xffff, v1  }
0x48: {  	[tilespmem:s31+$0x6A40] =	vst.add.f32.msk $0xffff, v1  }
0x49: {  	[tilespmem:s31+$0x8340] =	vst.add.f32.msk $0xffff, v1  }
0x4a: {  	[tilespmem:s31+$0x9C40] =	vst.add.f32.msk $0xffff, v1  }
0x4b: {  	[tilespmem:s31+$0xB540] =	vst.add.f32.msk $0xffff, v1  }
0x4c: {  	[tilespmem:s31+$0x650] =	vst.add.f32.msk $0xffff, v0  }
0x4d: {  	[tilespmem:s31+$0x1F50] =	vst.add.f32.msk $0xffff, v0  }
0x4e: {  	[tilespmem:s31+$0x3850] =	vst.add.f32.msk $0xffff, v0  }
0x4f: {  	s0 =	simm.s32 $0x100;
	s3 =	simm.s32 $0x20;
	[tilespmem:s31+$0x5150] =	vst.add.f32.msk $0xffff, v0  }
.LBB2_3:
0x50: {  	p0 =	sne.s32 s0, $0x6380;
	v1 =	vld [tilespmem:s3+$0xCE50]  }
0x51: {  	v2 =	vld [tilespmem:s3+$0xCE40]  }
0x52: {  	[tilespmem:s31+$0x6A50] =	vst.add.f32.msk $0xffff, v0  }
0x53: {  	[tilespmem:s31+$0x8350] =	vst.add.f32.msk $0xffff, v0  }
0x54: {  	[tilespmem:s31+$0x9C50] =	vst.add.f32.msk $0xffff, v0;
	s31 =	smov.u32 s3  }
0x55: {  	[tilespmem:s31+$0xB550] =	vst.add.f32.msk $0xffff, v1;
	v0 =	vmov v1  }
0x56: {  	[tilespmem:s31+$0x640] =	vst.add.f32.msk $0xffff, v2  }
0x57: {  	[tilespmem:s31+$0x1F40] =	vst.add.f32.msk $0xffff, v2  }
0x58: {  	[tilespmem:s31+$0x3840] =	vst.add.f32.msk $0xffff, v2  }
0x59: {  	[tilespmem:s31+$0x5140] =	vst.add.f32.msk $0xffff, v2  }
0x5a: {  	[tilespmem:s31+$0x6A40] =	vst.add.f32.msk $0xffff, v2  }
0x5b: {  	[tilespmem:s31+$0x8340] =	vst.add.f32.msk $0xffff, v2  }
0x5c: {  	[tilespmem:s31+$0x9C40] =	vst.add.f32.msk $0xffff, v2  }
.Ltmp0:
0x5d: {  	[tilespmem:s31+$0xB540] =	vst.add.f32.msk $0xffff, v2;
	(pc) =	sbr.rel @p0 .LBB2_3-.Ltmp0, $4  }
0x5e: {  	[tilespmem:s31+$0x650] =	vst.add.f32.msk $0xffff, v0  }
0x5f: {  	[tilespmem:s31+$0x1F50] =	vst.add.f32.msk $0xffff, v0  }
0x60: {  	[tilespmem:s31+$0x3850] =	vst.add.f32.msk $0xffff, v0  }
0x61: {  	s3 =	sshra.s32 s0, $0x2;
	s0 =	sadd.s32 $0x80, s0;
	[tilespmem:s31+$0x5150] =	vst.add.f32.msk $0xffff, v0  }
0x62: {  	v1 =	vld [tilespmem:s3+$0xCE50]  }
0x63: {  	v2 =	vld [tilespmem:s3+$0xCE40]  }
0x64: {  	[tilespmem:s31+$0x6A50] =	vst.add.f32.msk $0xffff, v0  }
0x65: {  	[tilespmem:s31+$0x8350] =	vst.add.f32.msk $0xffff, v0  }
0x66: {  	[tilespmem:s31+$0x9C50] =	vst.add.f32.msk $0xffff, v0  }
0x67: {  	[tilespmem:s3+$0xB550] =	vst.add.f32.msk $0xffff, v1  }
0x68: {  	[tilespmem:s3+$0x640] =	vst.add.f32.msk $0xffff, v2  }
0x69: {  	[tilespmem:s3+$0x1F40] =	vst.add.f32.msk $0xffff, v2  }
0x6a: {  	[tilespmem:s3+$0x3840] =	vst.add.f32.msk $0xffff, v2  }
0x6b: {  	[tilespmem:s3+$0x5140] =	vst.add.f32.msk $0xffff, v2  }
0x6c: {  	[tilespmem:s3+$0x6A40] =	vst.add.f32.msk $0xffff, v2  }
0x6d: {  	[tilespmem:s3+$0x8340] =	vst.add.f32.msk $0xffff, v2  }
0x6e: {  	[tilespmem:s3+$0x9C40] =	vst.add.f32.msk $0xffff, v2  }
0x6f: {  	[tilespmem:s3+$0xB540] =	vst.add.f32.msk $0xffff, v2  }
0x70: {  	[tilespmem:s3+$0x650] =	vst.add.f32.msk $0xffff, v1  }
0x71: {  	[tilespmem:s3+$0x1F50] =	vst.add.f32.msk $0xffff, v1  }
0x72: {  	[tilespmem:s3+$0x3850] =	vst.add.f32.msk $0xffff, v1  }
0x73: {  	[tilespmem:s3+$0x5150] =	vst.add.f32.msk $0xffff, v1  }
0x74: {  	s0 =	smul.u32 $0x320, s30;
	s29 =	sadd.s32 $0x1, s29;
	[tilespmem:s3+$0x6A50] =	vst.add.f32.msk $0xffff, v1  }
0x75: {  	p0 =	sne.s32 s29, $0x10;
	[tilespmem:s3+$0x8350] =	vst.add.f32.msk $0xffff, v1  }
.Ltmp1:
0x76: {  	s0 =	sadd.s32 s1, s0;
	[tilespmem:s3+$0x9C50] =	vst.add.f32.msk $0xffff, v1;
	(pc) =	sbr.rel @p0 .LBB2_2-.Ltmp1, $4  }
0x77: {  	[hbm4b:s0+s2] =	stream.linear.scatter [tilespmem:s12], [sflag:$0x2], $0xC800, $0x38;
	[tilespmem:$0xE740] =	vst v63  }
0x78: {  	_ =	swait.ge [sflag:s10], $0xC800  }
0x79: {  	[sflag:s10] =	ssyncset.done $0x0  }
0x7a: {  	[sflag:s10] =	ssyncadd.s32 $0xFFFF3800  }
0x7b: {  	s28 =	sadd.s32 $0x1, s28  }
0x7c: {  	p0 =	sne.s32 s28, s8  }
.Ltmp2:
0x7d: {  	_ = 	snop;
	(pc) =	sbr.rel @p0 .LBB2_1-.Ltmp2, $1  }
0x7e: {  	_ =	sdelay $0x3  }
0x7f: {  	_ =	sfence.sel $0x180000  }
0x80: {  	[bflag:$0x0] =	sbarrier.arrive $0xFFFF  }
0x81: {  	_ =	strace $0x90000047  }
0x82: {  	s0 =	stileid.u32;
	[bflag:$0x2] =	sbarrier.arrive $0xFFFF  }
0x83: {  	p0 =	sne.s32 s0, $0x0;
	s0 =	rddreg [dreg:$0x2]  }
0x84: {  	s0 =	sadd.s32 @!p0 $0x100000, s0  }
0x85: {  	[sflag:s0] =	ssyncadd.tile.s32 @!p0 $0x1;
	_ =	shalt  }
.Lfunc_end2:
_tile_overlayer_lowered:
.L_overlay_start_2:
0x86: {  	(tag) =	ssettag $0x2  }
0x87: {  	s0 =	rddreg [dreg:$0x0];
	s2 =	stileid.u32  }
0x88: {  	s1 =	rddreg [dreg:$0x1];
	p0 =	sne.s32 s2, $0x0  }
0x89: {  	s3 =	rddreg [dreg:$0x2];
	[bflag:$0x3] =	sbarrier.arrive $0xFFFF;
	s2 =	simm.s32 @!p0 $0x1C02  }
0x8a: {  	[timem:s3], [sflag:s2] =	dma.local @!p0 [hbm:s0], s1  }
0x8b: {  	s0 =	simm.s32 @!p0 $0x2  }
0x8c: {  	_ =	swait.ge @!p0 [sflag:s0], s1  }
0x8d: {  	s1 =	ssub.s32 @!p0 $0x0, s1;
	[sflag:s0] =	ssyncset.done @!p0 $0x0  }
0x8e: {  	[sflag:s0] =	ssyncadd.s32 @!p0 s1  }
0x8f: {  	[bflag:$0x3] =	sbarrier.arrive $0xFFFF  }
0x90: {  	_ =	shalt  }

// kernel: sparse-core-data-format-call.cloned.1.call-start
scs
called_computation_lowered:
.L_overlay_start_0:
0x0: {  	s2 =	sld [smem:$0x3FD9]  }
0x1: {  	s3 =	sld [smem:$0x3FFE];
	_ =	sdelay $0x1  }
0x2: {  	s1 =	srdreg.scid  }
0x3: {  	s0 =	sand.u32 $0x1, s1  }
0x4: {  	s18 =	sshll.u32 s0, $0xA;
	s2 =	sadd.s32 s3, s2  }
0x5: {  	s2 =	sadd.s32 s2, s18  }
0x6: {  	[smem:$0x3FC5] =	sst s2  }
0x7: {  	_ = 	snop  }
0x8: {  	s2 =	sld [smem:$0x3FD0];
	(tm) =	ssettm $0x1  }
0x9: {  	s19 =	sld [smem:$0x3FFB];
	_ =	sdelay $0x3  }
0xa: {  	_ =	strace s19  }
0xb: {  	s3 =	sld [smem:$0x3FFC];
	_ =	sdelay $0x3  }
0xc: {  	_ =	strace s3  }
0xd: {  	s3 =	sld [smem:$0x3FFD];
	_ =	sdelay $0x3  }
0xe: {  	_ =	strace s3  }
0xf: {  	_ =	strace $0x8FFFFFFF  }
0x10: {  	s20 =	sld [smem:$0x3FDB];
	_ =	sdelay $0x1  }
0x11: {  	s4 =	simm.s32 $_scs_section_size  }
0x12: {  	s5 =	simm.s32 $_size__tile_overlayer_lowered;
	s6 =	simm.s32 $_tile_overlayer_lowered  }
0x13: {  	s23 =	simm.s32 $0x1BFF;
	s22 =	sshll.u32 s6, $0x1;
	s3 =	sadd.s32 s4, s20  }
0x14: {  	s7 =	simm.s32 $0x0;
	s21 =	sshll.u32 s5, $0x1;
	s5 =	sadd.s32 s22, s3  }
0x15: {  	[timem:s7], [sflag:s23] =	dma.local [hbm:s5], s21  }
0x16: {  	_ =	swait.ge [sflag:s23], s21  }
0x17: {  	s4 =	ssub.s32 $0x0, s21;
	[sflag:s23] =	ssyncset.done $0x0  }
0x18: {  	[sflag:s23] =	ssyncadd.s32 s4;
	_ =	sdelay $0x1  }
0x19: {  	s24 =	simm.s32 $0x1B8B  }
0x1a: {  	_ =	swait.ge [sflag:s24], $0x1  }
0x1b: {  	[sflag:s24] =	ssyncset.done $0x0  }
0x1c: {  	s26 =	simm.s32 $0x1B8E;
	s25 =	sld [smem:$0x3FFE];
	[sflag:s24] =	ssyncadd.s32 $0xFFFFFFFF  }
0x1d: {  	s27 =	simm.s32 $execute0_lowered;
	[smem:$0x3FD2] =	sst s26  }
0x1e: {  	s5 =	sshll.u32 s27, $0x1;
	_ =	strace $0x80000049;
	[dreg:$0x1] =	wrdreg $0xFFFFFFFF  }
0x1f: {  	s28 =	simm.s32 $_size_execute0_lowered;
	s3 =	sadd.s32 s3, s5;
	[dreg:$0x0] =	wrdreg $0x0  }
0x20: {  	s5 =	sshll.u32 s28, $0x1;
	[dreg:$0x2] =	wrdreg s3  }
0x21: {  	[dreg:$0x3] =	wrdreg s5  }
0x22: {  	[dreg:$0x4] =	wrdreg $0xC0  }
0x23: {  	_ =	task [dreg:s7], $0x5FFFF  }
0x24: {  	[dreg:$0x1] =	wrdreg $0xFFFFFFFF  }
0x25: {  	[dreg:$0x0] =	wrdreg $0x60  }
0x26: {  	[dreg:$0x2] =	wrdreg s25  }
0x27: {  	[dreg:$0x3] =	wrdreg s2  }
0x28: {  	[dreg:$0x4] =	wrdreg $0x9  }
0x29: {  	_ =	task.clear_ibuf [dreg:s7], $0x5FFFF;
	_ =	strace $0x90000049  }
0x2a: {  	s29 =	simm.s32 $0x9;
	_ =	strace $0x8000004B  }
0x2b: {  	_ =	swait.ge [sflag:s29], $0x1  }
0x2c: {  	[sflag:s29] =	ssyncadd.s32 $0xFFFFFFFF  }
0x2d: {  	_ =	strace $0x9000004B  }
0x2e: {  	_ =	sfence  }
0x2f: {  	s30 =	sld [smem:$0x0];
	_ =	sdelay $0x2  }
0x30: {  	s31 =	sshll.u32 s1, $0xD;
	s1 =	sshrl.u32 s1, $0x2  }
0x31: {  	s3 =	sand.u32 $0x4000, s31;
	s1 =	sadd.s32 s1, s30  }
0x32: {  	s0 =	sor.u32 s3, s0;
	s1 =	sshll.u32 s1, $0x11  }
0x33: {  	s0 =	sor.u32 s1, s0  }
0x34: {  	s0 =	sadd.s32 $0x8F2B, s0  }
0x35: {  	[sflag:s0] =	ssyncadd.remote.s32 $0x1  }
0x36: {  	_ =	sfence.sel $0xFFFF  }
0x37: {  	[dreg:$0x0] =	wrdreg $0xFFFFFFFF;
	(pc) =	sbr.abs _section_cstart, $3  }
0x38: {  	[dreg:$0x1] =	wrdreg $0xFFFFFFFF  }
0x39: {  	_ =	task.clear_ibuf [dreg:s7], $0x2FFFF;
	_ =	strace $0x9FFFFFFF  }
0x3a: {  	(tm) =	ssettm $0x7FFFFFFF  }
0x3b: {  	_ =	shalt  }
tec
execute0_lowered:
.L_overlay_start_1:
0x0: {  	(tag) =	ssettag $0x1  }
0x1: {  	s0 =	srdreg.scid  }
0x2: {  	s1 =	sshll.u32 s0, $0x4  }
0x3: {  	s0 =	stileid.u32;
	s1 =	sand.u32 $0x10, s1  }
0x4: {  	s1 =	sor.u32 s0, s1  }
0x5: {  	s6 =	rddreg [dreg:$0x0];
	s4 =	simm.s32 $0x1;
	s2 =	sshll.u32 s1, $0x7  }
0x6: {  	s7 =	simm.s32 $0x2;
	s12 =	simm.s32 $0x0;
	s1 =	ssub.s32 $0x1000, s2  }
0x7: {  	s8 =	simm.s32 $0x8000;
	s13 =	simm.s32 $0x0;
	s3 =	sand.u32 $0xF80, s1  }
0x8: {  	s9 =	simm.s32 $0x0;
	s5 =	sshrl.u32 s1, $0xC;
	p0 =	sne.s32 s3, $0x0  }
.Ltmp0:
0x9: {  	s1 =	rddreg [dreg:$0x2];
	s4 =	simm.s32 @!p0 $0x0;
	(pc) =	sbr.rel .LBB1_1-.Ltmp0, $4  }
0xa: {  	s11 =	simm.s32 $0x0;
	s3 =	rddreg [dreg:$0x1];
	s5 =	sadd.s32 s4, s5  }
0xb: {  	_ =	strace $0x8000004A;
	s4 =	simm.s32 $0x1;
	s5 =	smul.u32 $0xC8, s5  }
0xc: {  	s6 =	sadd.s32 $0xC00, s6;
	s10 =	smov.u32 s2;
	[sflag:s4] =	ssyncpa.u1 $0x0  }
0xd: {  	p0 =	por $0x0, $0x0;
	[sflag:s7] =	ssyncpa.u1 $0x0;
	s7 =	sor.u32 $0x1, s5  }
.LBB1_4:
0xe: {  	s16 =	sshll.u32 s13, $0x3;
	s17 =	sand.u32 $0x78, s13  }
0xf: {  	s30 =	sand.u32 $0x3E00, s13;
	s12 =	sshll.u32 s12, $0xE;
	s16 =	sand.u32 $0xC00, s16  }
0x10: {  	s31 =	sand.u32 $0x7, s13;
	s16 =	sor.u32 s17, s16;
	s17 =	sadd.s32 s3, s30  }
0x11: {  	s13 =	sshll.u32 s31, $0x12;
	s16 =	sshrl.u32 s16, $0x3;
	s12 =	sadd.s32 s12, s17  }
0x12: {  	[tilespmem:s15+$0x0 ss:$0x81] =	vst.msk $0xffff, v0;
	s13 =	sor.u32 $0x400, s13;
	s12 =	sadd.s32 s16, s12  }
0x13: {  	[hbm4b:s12+s13] =	stream.strided.scatter [tilespmem:s14], [sflag:$0x2], $0x1000, s8, s13, $0x20;
	[tilespmem:$0x4040] =	vst v63  }
.LBB1_5:
0x14: {  	s14 =	sadd.s32 $0x1, s9  }
0x15: {  	s12 =	sadd.s32 $0x1000, s10;
	s16 =	smov.u32 s10;
	p2 =	sgt.s32 s14, $0xC7  }
0x16: {  	s16 =	smov.u32 @p2 s12  }
0x17: {  	s14 =	simm.s32 @p2 $0x0;
	p2 =	sgt.s32 s16, $0xFFF  }
0x18: {  	s16 =	smov.u32 @p2 s2;
	p2 =	sne.s32 s11, s7  }
.Ltmp1:
0x19: {  	p1 =	slt.u32 s11, $0x2;
	(pc) =	sbr.rel @!p2 .LBB1_6-.Ltmp1, $4  }
0x1a: {  	s15 =	simm.s32 @!p1 $0x2  }
0x1b: {  	s13 =	smov.u32 s10;
	p0 =	por !p0, !p0;
	_ =	swait.ge @!p1 [sflag:s15], $0x1000  }
0x1c: {  	s12 =	smov.u32 s9;
	[sflag:s15] =	ssyncset.done @!p1 $0x0;
	s9 =	smov.u32 s14  }
0x1d: {  	s11 =	sadd.s32 $0x1, s11;
	[sflag:s15] =	ssyncadd.s32 @!p1 $0xFFFFF000;
	s10 =	smov.u32 s16  }
.LBB1_1:
0x1e: {  	p1 =	sge.u32 s11, s5  }
0x1f: {  	s14 =	sand.u32 @!p1 $0x1FFFFFF, s9  }
0x20: {  	s15 =	smulhi.u32 @!p1 $0x147AE15, s14;
	_ =	sdelay $0x1  }
0x21: {  	s15 =	smul.u32 @!p1 $0xC8, s15  }
0x22: {  	s16 =	sxor.u32 @!p1 $0xFFFFFFFF, s11;
	s17 =	smul.u32 @!p1 $0xC80, s10  }
0x23: {  	s31 =	sadd.s32 $0xFFFFFFFF, s11;
	s16 =	sshll.u32 @!p1 s16, $0xC;
	s14 =	ssub.s32 @!p1 s14, s15  }
0x24: {  	s15 =	sand.u32 @!p1 $0x1000, s16;
	s16 =	sadd.s32 @!p1 s6, s17;
	s14 =	sshll.u32 @!p1 s14, $0x4  }
0x25: {  	s17 =	simm.s32 @!p1 $0x6400;
	s14 =	sadd.s32 @!p1 s14, s16;
	s16 =	simm.s32 @!p1 $0x20  }
0x26: {  	[tilespmem:s15], [sflag:$0x1] =	stream.strided.gather @!p1 [hbm4b:s14+s16], $0x1000, s17, s16, $0x38;
	[tilespmem:$0x4040] =	vst v63  }
0x27: {  	p1 =	sge.u32 s31, s5  }
.Ltmp2:
0x28: {  	_ = 	snop;
	(pc) =	sbr.rel @p1 .LBB1_5-.Ltmp2, $1  }
0x29: {  	_ =	sdelay $0x3  }
0x2a: {  	s14 =	simm.s32 $0x1  }
0x2b: {  	_ =	swait.ge [sflag:s4], $0x1000;
	s14 =	simm.s32 @!p0 $0x0  }
0x2c: {  	[sflag:s4] =	ssyncset.done $0x0;
	s15 =	sshll.u32 s14, $0xC  }
0x2d: {  	[sflag:s4] =	ssyncadd.s32 $0xFFFFF000;
	s18 =	sor.u32 $0x10, s15  }
0x2e: {  	s14 =	smul.u32 $0x4080, s14;
	v1 =	vld [tilespmem:s18+$0x0]  }
0x2f: {  	s30 =	sand.u32 $0x1, s11;
	v0 =	vld [tilespmem:s18+$0xFFFFFFF0]  }
0x30: {  	s15 =	smul.u32 $0x4080, s30;
	s14 =	sshrl.u32 s14, $0x2  }
0x31: {  	s16 =	sor.u32 $0x2000, s14  }
0x32: {  	s31 =	sshrl.u32 s15, $0x2;
	s15 =	sadd.s32 $0x0, s16  }
0x33: {  	s17 =	simm.s32 $0x4;
	s18 =	sadd.s32 $0x20, s18;
	s14 =	sor.u32 $0x2000, s31;
	[tilespmem:s15+$0x810 ss:$0x81] =	vst.msk $0xffff, v1  }
.LBB1_3:
0x34: {  	v1 =	vld [tilespmem:s18+$0x0];
	p1 =	sne.s32 s17, $0x1FC;
	[tilespmem:s15+$0x0 ss:$0x81] =	vst.msk $0xffff, v0;
	s15 =	smov.u32 s17;
	s17 =	sadd.s32 $0x4, s17  }
.Ltmp3:
0x35: {  	v0 =	vld [tilespmem:s18+$0xFFFFFFF0];
	(pc) =	sbr.rel @p1 .LBB1_3-.Ltmp3, $4  }
0x36: {  	_ = 	snop  }
0x37: {  	s15 =	sshra.s32 s15, $0x2  }
0x38: {  	s15 =	sadd.s32 s15, s16  }
0x39: {  	s18 =	sadd.s32 $0x20, s18;
	[tilespmem:s15+$0x810 ss:$0x81] =	vst.msk $0xffff, v1  }
.Ltmp4:
0x3a: {  	_ = 	snop;
	(pc) =	sbr.rel .LBB1_4-.Ltmp4, $1  }
0x3b: {  	_ =	sdelay $0x3  }
.LBB1_6:
0x3c: {  	_ =	sfence.sel $0x180000  }
0x3d: {  	s2 =	simm.s32 $0x1;
	[bflag:$0x0] =	sbarrier.arrive $0xFFFF  }
0x3e: {  	s31 =	simm.s32 $0x2;
	[sflag:s2] =	ssyncpa.u1 $0x1  }
0x3f: {  	[sflag:s31] =	ssyncpa.u1 $0x1  }
0x40: {  	p0 =	sne.s32 s0, $0x0;
	_ =	strace $0x9000004A  }
0x41: {  	s0 =	sadd.s32 @!p0 $0x100000, s1;
	[bflag:$0x2] =	sbarrier.arrive $0xFFFF  }
0x42: {  	[sflag:s0] =	ssyncadd.tile.s32 @!p0 $0x1;
	_ =	shalt  }
.Lfunc_end1:
_tile_overlayer_lowered:
.L_overlay_start_2:
0x43: {  	(tag) =	ssettag $0x2  }
0x44: {  	s0 =	rddreg [dreg:$0x0];
	s2 =	stileid.u32  }
0x45: {  	s1 =	rddreg [dreg:$0x1];
	p0 =	sne.s32 s2, $0x0  }
0x46: {  	s3 =	rddreg [dreg:$0x2];
	[bflag:$0x3] =	sbarrier.arrive $0xFFFF;
	s2 =	simm.s32 @!p0 $0x1C01  }
0x47: {  	[timem:s3], [sflag:s2] =	dma.local @!p0 [hbm:s0], s1  }
0x48: {  	s0 =	simm.s32 @!p0 $0x1  }
0x49: {  	_ =	swait.ge @!p0 [sflag:s0], s1  }
0x4a: {  	s1 =	ssub.s32 @!p0 $0x0, s1;
	[sflag:s0] =	ssyncset.done @!p0 $0x0  }
0x4b: {  	[sflag:s0] =	ssyncadd.s32 @!p0 s1  }
0x4c: {  	[bflag:$0x3] =	sbarrier.arrive $0xFFFF  }
0x4d: {  	_ =	shalt  }

</sc_bundles>
